<compile_context>
chip_gen: v7x
topology: tpu7x:2x2x1
jax: 0.10.2.dev20260603
libtpu: 0.0.44.dev20260713+nightly
codegen_flags: <defaults>
</compile_context>

<pallas_src>
import functools

import jax
import jax.numpy as jnp
from jax import lax
from jax.experimental import pallas as pl
from jax.experimental.pallas import tpu as pltpu
from jax.experimental.pallas import tpu_sc as plsc

_R = 65536
_D = 128
_NS = 64
_OUT = _D + _NS
_EPS = 1e-5
_NC = 2
_NSUB = 16
_NW = _NC * _NSUB
_RPW = _R // _NW
_G = 16
_NGRP = _RPW // _G
_HS = 66


def _sc_body(w_hbm, s_hbm, out_hbm,
             w0, s0, o0, w1, s1, o1, buf_v, hist_v,
             sin0, sin1, sout0, sout1):
    wid = lax.axis_index("s") * _NC + lax.axis_index("c")
    lane = lax.iota(jnp.int32, 16)
    b128 = lane * _D
    b129 = lane * (_D + 1)
    b192 = lane * _OUT
    b66 = lane * _HS
    zeros_i = jnp.zeros((16,), jnp.int32)
    zeros_f = jnp.zeros((16,), jnp.float32)
    ones_i = jnp.ones((16,), jnp.int32)

    def in_slice(g):
        return pl.ds((wid * _RPW + g * _G) * _D, _G * _D)

    def out_slice(g):
        return pl.ds((wid * _RPW + g * _G) * _OUT, _G * _OUT)

    def start_in(g, wb, sb, sem):
        pltpu.async_copy(w_hbm.at[in_slice(g)], wb, sem)
        pltpu.async_copy(s_hbm.at[in_slice(g)], sb, sem)

    def wait_in(g, wb, sb, sem):
        pltpu.make_async_copy(w_hbm.at[in_slice(g)], wb, sem).wait()
        pltpu.make_async_copy(s_hbm.at[in_slice(g)], sb, sem).wait()

    def zero_hist():
        @plsc.parallel_loop(0, _NS)
        def _zh(m):
            plsc.store_scatter(hist_v, [b66 + m], zeros_i)

    zero_hist()

    def compute(wb, sb, ob):
        plsc.store_scatter(buf_v, [b129], zeros_f)

        @plsc.parallel_loop(0, _D, unroll=8, carry=zeros_f)
        def s_total(k, acc):
            return acc + plsc.load_gather(wb, [b128 + k])

        padv = jnp.maximum(_EPS - s_total, 0.0) * (1.0 / _D)
        inv = 1.0 / (s_total + padv * _D)

        @plsc.parallel_loop(0, _D, unroll=8, carry=(zeros_f, zeros_i))
        def _pb(k, carry):
            acc, prev_p = carry
            acc = acc + plsc.load_gather(wb, [b128 + k])
            kp1 = (k + 1).astype(jnp.float32)
            cdf = (acc + kp1 * padv) * inv
            plsc.store_scatter(buf_v, [b129 + (k + 1)], cdf)
            p = (cdf * 64.0 + 0.5).astype(jnp.int32)
            sk = plsc.load_gather(sb, [b128 + k])
            plsc.store_scatter(ob, [b192 + k + prev_p], sk)
            plsc.addupdate_scatter(hist_v, [b66 + p], ones_i)
            return acc, p

        @plsc.parallel_loop(0, _NS, unroll=8, carry=zeros_i)
        def _pc(j, accn):
            h = plsc.load_gather(hist_v, [b66 + j])
            plsc.store_scatter(hist_v, [b66 + j], zeros_i)
            n = accn + h
            nr = jnp.minimum(n + 1, _D - 1)
            cl = plsc.load_gather(buf_v, [b129 + n])
            cr = plsc.load_gather(buf_v, [b129 + nr])
            ol = plsc.load_gather(sb, [b128 + n])
            orr = plsc.load_gather(sb, [b128 + nr])
            u = (j.astype(jnp.float32) * 2.0 + 1.0) * (1.0 / 128.0)
            dd = cr - cl
            t = jnp.where(dd > 0, (u - cl) / dd, 0.0)
            t = jnp.clip(t, 0.0, 1.0)
            nv = ol + t * (orr - ol)
            plsc.store_scatter(ob, [b192 + (j + 1) + n], nv)
            return n

    start_in(0, w0, s0, sin0)
    start_in(1, w1, s1, sin1)
    nh = _NGRP // 2

    def _ring(h, c):
        g0 = h * 2
        g1 = g0 + 1
        wait_in(g0, w0, s0, sin0)

        @pl.when(h > 0)
        def _():
            pltpu.make_async_copy(o0, out_hbm.at[out_slice(g0 - 2)], sout0).wait()

        compute(w0, s0, o0)
        pltpu.async_copy(o0, out_hbm.at[out_slice(g0)], sout0)

        @pl.when(h < nh - 1)
        def _():
            start_in(g0 + 2, w0, s0, sin0)

        wait_in(g1, w1, s1, sin1)

        @pl.when(h > 0)
        def _():
            pltpu.make_async_copy(o1, out_hbm.at[out_slice(g1 - 2)], sout1).wait()

        compute(w1, s1, o1)
        pltpu.async_copy(o1, out_hbm.at[out_slice(g1)], sout1)

        @pl.when(h < nh - 1)
        def _():
            start_in(g1 + 2, w1, s1, sin1)

        return c

    lax.fori_loop(0, nh, _ring, 0)
    pltpu.make_async_copy(o0, out_hbm.at[out_slice(_NGRP - 2)], sout0).wait()
    pltpu.make_async_copy(o1, out_hbm.at[out_slice(_NGRP - 1)], sout1).wait()


_sc_kernel = functools.partial(
    pl.kernel,
    out_type=jax.ShapeDtypeStruct((_R * _OUT,), jnp.float32),
    mesh=plsc.VectorSubcoreMesh(
        core_axis_name="c", subcore_axis_name="s",
        num_cores=_NC, num_subcores=_NSUB),
    compiler_params=pltpu.CompilerParams(needs_layout_passes=False),
    scratch_types=[
        pltpu.VMEM((_G * _D,), jnp.float32),
        pltpu.VMEM((_G * _D,), jnp.float32),
        pltpu.VMEM((_G * _OUT,), jnp.float32),
        pltpu.VMEM((_G * _D,), jnp.float32),
        pltpu.VMEM((_G * _D,), jnp.float32),
        pltpu.VMEM((_G * _OUT,), jnp.float32),
        pltpu.VMEM((_G * (_D + 1),), jnp.float32),
        pltpu.VMEM((_G * _HS,), jnp.int32),
        pltpu.SemaphoreType.DMA,
        pltpu.SemaphoreType.DMA,
        pltpu.SemaphoreType.DMA,
        pltpu.SemaphoreType.DMA,
    ],
)(_sc_body)


def kernel(weights, s_offsets):
    out = _sc_kernel(weights.reshape(-1), s_offsets.reshape(-1))
    return out.reshape(_R, _OUT)

# --- scband reference (transcript-rebuilt; emitter-appended) ---
"""Pipeline reference for scband-pdfsampler-40415642255465 (READ-ONLY COPY).

The authoritative reference and input builder live on the scoring server;
editing this copy changes nothing except your own understanding.
"""

import jax, jax.numpy as jnp
import numpy as np

NUM_SAMPLES = 64
EPS = 1e-5


def setup_inputs(seed: int = 0) -> dict:
    key = jax.random.key(seed)
    k1, k2 = jax.random.split(key)
    weights = jax.random.uniform(k1, (65536, 128), dtype=jnp.float32)
    # s_offsets are per-ray monotonically increasing sample positions
    s_offsets = jnp.sort(jax.random.uniform(k2, (65536, 128), dtype=jnp.float32), axis=-1)
    return {"weights": weights, "s_offsets": s_offsets}


def reference(weights, s_offsets):
    # Faithful JAX translation of PDFSampler.generate_ray_samples (eval /
    # non-stratified path, identity s2t_fn). RayBundle/RaySamples are
    # represented by their tensor payloads: s_offsets [R, D], weights [R, D].
    num_rays, num_samples_dist = weights.shape

    weights_sum = jnp.sum(weights, axis=-1, keepdims=True)
    padding = jax.nn.relu(EPS - weights_sum)
    weights = weights + padding / num_samples_dist

    cdf = jnp.cumsum(weights, axis=-1)
    cdf = cdf / cdf[:, -1:]
    cdf = jnp.concatenate([jnp.zeros((num_rays, 1), dtype=cdf.dtype), cdf], axis=-1)

    u = jnp.linspace(0.0, 1.0, NUM_SAMPLES + 1, dtype=jnp.float32)[None, :]
    bin_lower = u[..., :-1]
    bin_upper = u[..., 1:]
    # train_stratified=False / eval mode -> deterministic midpoints
    u = (bin_upper + bin_lower) * 0.5
    u = jnp.broadcast_to(u, (num_rays, NUM_SAMPLES))

    indices = jax.vmap(lambda c, uu: jnp.searchsorted(c, uu, side='right'))(cdf, u)
    idx_right = jnp.clip(indices, 0, num_samples_dist - 1)
    idx_left = jnp.clip(indices - 1, 0, num_samples_dist - 1)

    cdf_left = jnp.take_along_axis(cdf, idx_left, axis=-1)
    cdf_right = jnp.take_along_axis(cdf, idx_right, axis=-1)
    offsets_left = jnp.take_along_axis(s_offsets, idx_left, axis=-1)
    offsets_right = jnp.take_along_axis(s_offsets, idx_right, axis=-1)

    t = jnp.nan_to_num((u - cdf_left) / (cdf_right - cdf_left))
    t = jnp.clip(t, 0.0, 1.0)
    new_s_offsets = offsets_left + t * (offsets_right - offsets_left)

    # include_orginal=True: merge with original offsets and sort
    s_out = jnp.sort(jnp.concatenate([new_s_offsets, s_offsets], axis=-1), axis=-1)
    # original code: s_offsets = s_offsets.detach()
    s_out = jax.lax.stop_gradient(s_out)
    # identity s2t_fn -> t_offsets == s_offsets; return sampled offsets
    return s_out

if __name__ == "__main__":
    import jax
    _d = setup_inputs()
    print(jax.jit(kernel)(*tuple(_d.values())))

</pallas_src>

<mosaic_0001>
#map = affine_map<(d0, d1) -> (0)>
module attributes {stable_mosaic.version = 14 : i64} {
  func.func @_sc_body(%arg0: i32, %arg1: i32, %arg2: memref<8388608xf32, #tpu.memory_space<hbm>>, %arg3: memref<8388608xf32, #tpu.memory_space<hbm>>, %arg4: memref<12582912xf32, #tpu.memory_space<hbm>>, %arg5: memref<2048xf32, #tpu.memory_space<vmem>>, %arg6: memref<2048xf32, #tpu.memory_space<vmem>>, %arg7: memref<3072xf32, #tpu.memory_space<vmem>>, %arg8: memref<2048xf32, #tpu.memory_space<vmem>>, %arg9: memref<2048xf32, #tpu.memory_space<vmem>>, %arg10: memref<3072xf32, #tpu.memory_space<vmem>>, %arg11: memref<2064xf32, #tpu.memory_space<vmem>>, %arg12: memref<1056xi32, #tpu.memory_space<vmem>>, %arg13: memref<!tpu.dma_semaphore, #tpu.memory_space<semaphore_mem>>, %arg14: memref<!tpu.dma_semaphore, #tpu.memory_space<semaphore_mem>>, %arg15: memref<!tpu.dma_semaphore, #tpu.memory_space<semaphore_mem>>, %arg16: memref<!tpu.dma_semaphore, #tpu.memory_space<semaphore_mem>>) attributes {dimension_semantics = [#tpu.dimension_semantics<core_parallel>, #tpu.dimension_semantics<subcore_parallel>], iteration_bounds = array<i64: 2, 16>, scalar_prefetch = 0 : i64, scratch_operands = 12 : i64, tpu.core_type = #tpu.core_type<sc_vector_subcore>, window_params = [{transform_indices = #map}, {transform_indices = #map}, {transform_indices = #map}]} {
    %mul3A = arith.constant 2 : i32
    %mul3A_0 = arith.muli %arg1, %mul3A : i32
    %add3A = arith.addi %mul3A_0, %arg0 : i32
    %iota3A = tpu.iota {dimensions = array<i32: 0>} : vector<16xi32>
    %mul3A_1 = arith.constant 128 : i32
    %mul3A_2 = vector.broadcast %mul3A_1 : i32 to vector<16xi32>
    %mul3A_3 = arith.muli %iota3A, %mul3A_2 : vector<16xi32>
    %mul3A_4 = arith.constant 129 : i32
    %mul3A_5 = vector.broadcast %mul3A_4 : i32 to vector<16xi32>
    %mul3A_6 = arith.muli %iota3A, %mul3A_5 : vector<16xi32>
    %mul3A_7 = arith.constant 192 : i32
    %mul3A_8 = vector.broadcast %mul3A_7 : i32 to vector<16xi32>
    %mul3A_9 = arith.muli %iota3A, %mul3A_8 : vector<16xi32>
    %mul3A_10 = arith.constant 66 : i32
    %mul3A_11 = vector.broadcast %mul3A_10 : i32 to vector<16xi32>
    %mul3A_12 = arith.muli %iota3A, %mul3A_11 : vector<16xi32>
    %broadcast_in_dim3A = arith.constant 0 : i32
    %broadcast_in_dim3A_13 = vector.broadcast %broadcast_in_dim3A : i32 to vector<16xi32>
    %broadcast_in_dim3A_14 = arith.constant 0.000000e+00 : f32
    %broadcast_in_dim3A_15 = vector.broadcast %broadcast_in_dim3A_14 : f32 to vector<16xf32>
    %broadcast_in_dim3A_16 = arith.constant 1 : i32
    %broadcast_in_dim3A_17 = vector.broadcast %broadcast_in_dim3A_16 : i32 to vector<16xi32>
    %parallel_loop3A = arith.constant 0 : i32
    %parallel_loop3A_18 = arith.constant 64 : i32
    %parallel_loop3A_19 = arith.constant 1 : i32
    scf.for %parallel_loop3A_71 = %parallel_loop3A to %parallel_loop3A_18 step %parallel_loop3A_19  : i32 {
      %parallel_loop3A_72 = vector.broadcast %parallel_loop3A_71 : i32 to vector<16xi32>
      %parallel_loop3A_73 = arith.addi %mul3A_12, %parallel_loop3A_72 : vector<16xi32>
      tpu.vector_store_idx %arg12[%parallel_loop3A_73], %broadcast_in_dim3A_13 : memref<1056xi32, #tpu.memory_space<vmem>>[vector<16xi32>], vector<16xi32>,
    } {sc.loop_unroll_factor = 1 : i64, sc.parallel_access}
    %mul3A_20 = arith.constant 2048 : i32
    %mul3A_21 = arith.muli %add3A, %mul3A_20 : i32
    %add3A_22 = arith.constant 0 : i32
    %add3A_23 = arith.addi %mul3A_21, %add3A_22 : i32
    %mul3A_24 = arith.constant 128 : i32
    %mul3A_25 = arith.muli %add3A_23, %mul3A_24 : i32
    %dma_start3A = tpu.memref_slice %arg2[%mul3A_25] : memref<8388608xf32, #tpu.memory_space<hbm>> -> memref<2048xf32, #tpu.memory_space<hbm>>
    %dma_start3A_26 = tpu.memref_slice %arg2[%mul3A_25] : memref<8388608xf32, #tpu.memory_space<hbm>> -> memref<2048xf32, #tpu.memory_space<hbm>>
    tpu.enqueue_dma source(%dma_start3A_26 : memref<2048xf32, #tpu.memory_space<hbm>>) target(%arg5 : memref<2048xf32, #tpu.memory_space<vmem>>) target_semaphore(%arg13 : memref<!tpu.dma_semaphore, #tpu.memory_space<semaphore_mem>>)
    %mul3A_27 = arith.constant 2048 : i32
    %mul3A_28 = arith.muli %add3A, %mul3A_27 : i32
    %add3A_29 = arith.constant 0 : i32
    %add3A_30 = arith.addi %mul3A_28, %add3A_29 : i32
    %mul3A_31 = arith.constant 128 : i32
    %mul3A_32 = arith.muli %add3A_30, %mul3A_31 : i32
    %dma_start3A_33 = tpu.memref_slice %arg3[%mul3A_32] : memref<8388608xf32, #tpu.memory_space<hbm>> -> memref<2048xf32, #tpu.memory_space<hbm>>
    %dma_start3A_34 = tpu.memref_slice %arg3[%mul3A_32] : memref<8388608xf32, #tpu.memory_space<hbm>> -> memref<2048xf32, #tpu.memory_space<hbm>>
    tpu.enqueue_dma source(%dma_start3A_34 : memref<2048xf32, #tpu.memory_space<hbm>>) target(%arg6 : memref<2048xf32, #tpu.memory_space<vmem>>) target_semaphore(%arg13 : memref<!tpu.dma_semaphore, #tpu.memory_space<semaphore_mem>>)
    %mul3A_35 = arith.constant 2048 : i32
    %mul3A_36 = arith.muli %add3A, %mul3A_35 : i32
    %add3A_37 = arith.constant 16 : i32
    %add3A_38 = arith.addi %mul3A_36, %add3A_37 : i32
    %mul3A_39 = arith.constant 128 : i32
    %mul3A_40 = arith.muli %add3A_38, %mul3A_39 : i32
    %dma_start3A_41 = tpu.memref_slice %arg2[%mul3A_40] : memref<8388608xf32, #tpu.memory_space<hbm>> -> memref<2048xf32, #tpu.memory_space<hbm>>
    %dma_start3A_42 = tpu.memref_slice %arg2[%mul3A_40] : memref<8388608xf32, #tpu.memory_space<hbm>> -> memref<2048xf32, #tpu.memory_space<hbm>>
    tpu.enqueue_dma source(%dma_start3A_42 : memref<2048xf32, #tpu.memory_space<hbm>>) target(%arg8 : memref<2048xf32, #tpu.memory_space<vmem>>) target_semaphore(%arg14 : memref<!tpu.dma_semaphore, #tpu.memory_space<semaphore_mem>>)
    %mul3A_43 = arith.constant 2048 : i32
    %mul3A_44 = arith.muli %add3A, %mul3A_43 : i32
    %add3A_45 = arith.constant 16 : i32
    %add3A_46 = arith.addi %mul3A_44, %add3A_45 : i32
    %mul3A_47 = arith.constant 128 : i32
    %mul3A_48 = arith.muli %add3A_46, %mul3A_47 : i32
    %dma_start3A_49 = tpu.memref_slice %arg3[%mul3A_48] : memref<8388608xf32, #tpu.memory_space<hbm>> -> memref<2048xf32, #tpu.memory_space<hbm>>
    %dma_start3A_50 = tpu.memref_slice %arg3[%mul3A_48] : memref<8388608xf32, #tpu.memory_space<hbm>> -> memref<2048xf32, #tpu.memory_space<hbm>>
    tpu.enqueue_dma source(%dma_start3A_50 : memref<2048xf32, #tpu.memory_space<hbm>>) target(%arg9 : memref<2048xf32, #tpu.memory_space<vmem>>) target_semaphore(%arg14 : memref<!tpu.dma_semaphore, #tpu.memory_space<semaphore_mem>>)
    %scan3A = arith.constant 0 : i32
    %scan3A_51 = arith.constant 0 : i32
    %scan3A_52 = arith.constant 64 : i32
    %scan3A_53 = arith.addi %scan3A_51, %scan3A_52 : i32
    %scan3A_54 = arith.constant 1 : i32
    scf.for %scan3A_71 = %scan3A_51 to %scan3A_53 step %scan3A_54  : i32 {
      %mul3A_72 = arith.constant 2 : i32
      %mul3A_73 = arith.muli %scan3A_71, %mul3A_72 : i32
      %add3A_74 = arith.constant 1 : i32
      %add3A_75 = arith.addi %mul3A_73, %add3A_74 : i32
      %mul3A_76 = arith.constant 2048 : i32
      %mul3A_77 = arith.muli %add3A, %mul3A_76 : i32
      %mul3A_78 = arith.constant 16 : i32
      %mul3A_79 = arith.muli %mul3A_73, %mul3A_78 : i32
      %add3A_80 = arith.addi %mul3A_77, %mul3A_79 : i32
      %mul3A_81 = arith.constant 128 : i32
      %mul3A_82 = arith.muli %add3A_80, %mul3A_81 : i32
      %dma_wait3A_83 = tpu.memref_slice %arg2[%mul3A_82] : memref<8388608xf32, #tpu.memory_space<hbm>> -> memref<2048xf32, #tpu.memory_space<hbm>>
      %dma_wait3A_84 = tpu.memref_slice %arg2[%mul3A_82] : memref<8388608xf32, #tpu.memory_space<hbm>> -> memref<2048xf32, #tpu.memory_space<hbm>>
      tpu.wait_dma2 semaphore(%arg13 : memref<!tpu.dma_semaphore, #tpu.memory_space<semaphore_mem>>) src(%dma_wait3A_84 : memref<2048xf32, #tpu.memory_space<hbm>>) dst(%arg5 : memref<2048xf32, #tpu.memory_space<vmem>>)
      %mul3A_85 = arith.constant 2048 : i32
      %mul3A_86 = arith.muli %add3A, %mul3A_85 : i32
      %mul3A_87 = arith.constant 16 : i32
      %mul3A_88 = arith.muli %mul3A_73, %mul3A_87 : i32
      %add3A_89 = arith.addi %mul3A_86, %mul3A_88 : i32
      %mul3A_90 = arith.constant 128 : i32
      %mul3A_91 = arith.muli %add3A_89, %mul3A_90 : i32
      %dma_wait3A_92 = tpu.memref_slice %arg3[%mul3A_91] : memref<8388608xf32, #tpu.memory_space<hbm>> -> memref<2048xf32, #tpu.memory_space<hbm>>
      %dma_wait3A_93 = tpu.memref_slice %arg3[%mul3A_91] : memref<8388608xf32, #tpu.memory_space<hbm>> -> memref<2048xf32, #tpu.memory_space<hbm>>
      tpu.wait_dma2 semaphore(%arg13 : memref<!tpu.dma_semaphore, #tpu.memory_space<semaphore_mem>>) src(%dma_wait3A_93 : memref<2048xf32, #tpu.memory_space<hbm>>) dst(%arg6 : memref<2048xf32, #tpu.memory_space<vmem>>)
      %gt3A = arith.constant 0 : i32
      %gt3A_94 = arith.cmpi sgt, %scan3A_71, %gt3A : i32
      %convert_element_type3A = arith.extui %gt3A_94 : i1 to i32
      %cond3A = arith.constant 0 : i32
      %cond3A_95 = arith.cmpi ne, %convert_element_type3A, %cond3A : i32
      scf.if %cond3A_95 {
        %sub3A_199 = arith.constant 2 : i32
        %sub3A_200 = arith.subi %mul3A_73, %sub3A_199 : i32
        %mul3A_201 = arith.constant 2048 : i32
        %mul3A_202 = arith.muli %add3A, %mul3A_201 : i32
        %mul3A_203 = arith.constant 16 : i32
        %mul3A_204 = arith.muli %sub3A_200, %mul3A_203 : i32
        %add3A_205 = arith.addi %mul3A_202, %mul3A_204 : i32
        %mul3A_206 = arith.constant 192 : i32
        %mul3A_207 = arith.muli %add3A_205, %mul3A_206 : i32
        %dma_wait3A_208 = tpu.memref_slice %arg4[%mul3A_207] : memref<12582912xf32, #tpu.memory_space<hbm>> -> memref<3072xf32, #tpu.memory_space<hbm>>
        %dma_wait3A_209 = tpu.memref_slice %arg4[%mul3A_207] : memref<12582912xf32, #tpu.memory_space<hbm>> -> memref<3072xf32, #tpu.memory_space<hbm>>
        tpu.wait_dma2 semaphore(%arg15 : memref<!tpu.dma_semaphore, #tpu.memory_space<semaphore_mem>>) src(%arg7 : memref<3072xf32, #tpu.memory_space<vmem>>) dst(%dma_wait3A_209 : memref<3072xf32, #tpu.memory_space<hbm>>)
      } else {
      }
      tpu.vector_store_idx %arg11[%mul3A_6], %broadcast_in_dim3A_15 : memref<2064xf32, #tpu.memory_space<vmem>>[vector<16xi32>], vector<16xf32>,
      %parallel_loop3A_96 = arith.constant 0 : i32
      %parallel_loop3A_97 = arith.constant 128 : i32
      %parallel_loop3A_98 = arith.constant 1 : i32
      %parallel_loop3A_99 = scf.for %parallel_loop3A_199 = %parallel_loop3A_96 to %parallel_loop3A_97 step %parallel_loop3A_98 iter_args(%parallel_loop3A_200 = %broadcast_in_dim3A_15) -> (vector<16xf32>)  : i32 {
        %parallel_loop3A_201 = vector.broadcast %parallel_loop3A_199 : i32 to vector<16xi32>
        %parallel_loop3A_202 = arith.addi %mul3A_3, %parallel_loop3A_201 : vector<16xi32>
        %parallel_loop3A_203 = tpu.vector_load_idx %arg5[%parallel_loop3A_202] : memref<2048xf32, #tpu.memory_space<vmem>>[vector<16xi32>], vector<16xf32>,
        %parallel_loop3A_204 = arith.addf %parallel_loop3A_200, %parallel_loop3A_203 : vector<16xf32>
        scf.yield %parallel_loop3A_204 : vector<16xf32>
      } {sc.loop_unroll_factor = 8 : i64, sc.parallel_access}
      %sub3A = arith.constant 9.99999974E-6 : f32
      %sub3A_100 = vector.broadcast %sub3A : f32 to vector<16xf32>
      %sub3A_101 = arith.subf %sub3A_100, %parallel_loop3A_99 : vector<16xf32>
      %max3A = arith.constant 0.000000e+00 : f32
      %max3A_102 = vector.broadcast %max3A : f32 to vector<16xf32>
      %max3A_103 = arith.maximumf %sub3A_101, %max3A_102 : vector<16xf32>
      %mul3A_104 = arith.constant 7.812500e-03 : f32
      %mul3A_105 = vector.broadcast %mul3A_104 : f32 to vector<16xf32>
      %mul3A_106 = arith.mulf %max3A_103, %mul3A_105 : vector<16xf32>
      %mul3A_107 = arith.constant 1.280000e+02 : f32
      %mul3A_108 = vector.broadcast %mul3A_107 : f32 to vector<16xf32>
      %mul3A_109 = arith.mulf %mul3A_106, %mul3A_108 : vector<16xf32>
      %add3A_110 = arith.addf %parallel_loop3A_99, %mul3A_109 : vector<16xf32>
      %div3A = arith.constant 1.000000e+00 : f32
      %div3A_111 = vector.broadcast %div3A : f32 to vector<16xf32>
      %div3A_112 = arith.divf %div3A_111, %add3A_110 : vector<16xf32>
      %parallel_loop3A_113 = arith.constant 0 : i32
      %parallel_loop3A_114 = arith.constant 128 : i32
      %parallel_loop3A_115 = arith.constant 1 : i32
      %parallel_loop3A_116:2 = scf.for %parallel_loop3A_199 = %parallel_loop3A_113 to %parallel_loop3A_114 step %parallel_loop3A_115 iter_args(%parallel_loop3A_200 = %broadcast_in_dim3A_15, %parallel_loop3A_201 = %broadcast_in_dim3A_13) -> (vector<16xf32>, vector<16xi32>)  : i32 {
        %parallel_loop3A_202 = vector.broadcast %parallel_loop3A_199 : i32 to vector<16xi32>
        %parallel_loop3A_203 = arith.addi %mul3A_3, %parallel_loop3A_202 : vector<16xi32>
        %parallel_loop3A_204 = tpu.vector_load_idx %arg5[%parallel_loop3A_203] : memref<2048xf32, #tpu.memory_space<vmem>>[vector<16xi32>], vector<16xf32>,
        %parallel_loop3A_205 = arith.addf %parallel_loop3A_200, %parallel_loop3A_204 : vector<16xf32>
        %parallel_loop3A_206 = arith.constant 1 : i32
        %parallel_loop3A_207 = arith.addi %parallel_loop3A_199, %parallel_loop3A_206 : i32
        %parallel_loop3A_208 = arith.sitofp %parallel_loop3A_207 : i32 to f32
        %parallel_loop3A_209 = vector.broadcast %parallel_loop3A_208 : f32 to vector<16xf32>
        %parallel_loop3A_210 = arith.mulf %parallel_loop3A_209, %mul3A_106 : vector<16xf32>
        %parallel_loop3A_211 = arith.addf %parallel_loop3A_205, %parallel_loop3A_210 : vector<16xf32>
        %parallel_loop3A_212 = arith.mulf %parallel_loop3A_211, %div3A_112 : vector<16xf32>
        %parallel_loop3A_213 = arith.constant 1 : i32
        %parallel_loop3A_214 = arith.addi %parallel_loop3A_199, %parallel_loop3A_213 : i32
        %parallel_loop3A_215 = vector.broadcast %parallel_loop3A_214 : i32 to vector<16xi32>
        %parallel_loop3A_216 = arith.addi %mul3A_6, %parallel_loop3A_215 : vector<16xi32>
        tpu.vector_store_idx %arg11[%parallel_loop3A_216], %parallel_loop3A_212 : memref<2064xf32, #tpu.memory_space<vmem>>[vector<16xi32>], vector<16xf32>,
        %parallel_loop3A_217 = arith.constant 6.400000e+01 : f32
        %parallel_loop3A_218 = vector.broadcast %parallel_loop3A_217 : f32 to vector<16xf32>
        %parallel_loop3A_219 = arith.mulf %parallel_loop3A_212, %parallel_loop3A_218 : vector<16xf32>
        %parallel_loop3A_220 = arith.constant 5.000000e-01 : f32
        %parallel_loop3A_221 = vector.broadcast %parallel_loop3A_220 : f32 to vector<16xf32>
        %parallel_loop3A_222 = arith.addf %parallel_loop3A_219, %parallel_loop3A_221 : vector<16xf32>
        %parallel_loop3A_223 = arith.fptosi %parallel_loop3A_222 : vector<16xf32> to vector<16xi32>
        %parallel_loop3A_224 = vector.broadcast %parallel_loop3A_199 : i32 to vector<16xi32>
        %parallel_loop3A_225 = arith.addi %mul3A_3, %parallel_loop3A_224 : vector<16xi32>
        %parallel_loop3A_226 = tpu.vector_load_idx %arg6[%parallel_loop3A_225] : memref<2048xf32, #tpu.memory_space<vmem>>[vector<16xi32>], vector<16xf32>,
        %parallel_loop3A_227 = vector.broadcast %parallel_loop3A_199 : i32 to vector<16xi32>
        %parallel_loop3A_228 = arith.addi %mul3A_9, %parallel_loop3A_227 : vector<16xi32>
        %parallel_loop3A_229 = arith.addi %parallel_loop3A_228, %parallel_loop3A_201 : vector<16xi32>
        tpu.vector_store_idx %arg7[%parallel_loop3A_229], %parallel_loop3A_226 : memref<3072xf32, #tpu.memory_space<vmem>>[vector<16xi32>], vector<16xf32>,
        %parallel_loop3A_230 = arith.addi %mul3A_12, %parallel_loop3A_223 : vector<16xi32>
        tpu.vector_store_idx %arg12[%parallel_loop3A_230], %broadcast_in_dim3A_17 {add = true} : memref<1056xi32, #tpu.memory_space<vmem>>[vector<16xi32>], vector<16xi32>,
        scf.yield %parallel_loop3A_205, %parallel_loop3A_223 : vector<16xf32>, vector<16xi32>
      } {sc.loop_unroll_factor = 8 : i64, sc.parallel_access}
      %parallel_loop3A_117 = arith.constant 0 : i32
      %parallel_loop3A_118 = arith.constant 64 : i32
      %parallel_loop3A_119 = arith.constant 1 : i32
      %parallel_loop3A_120 = scf.for %parallel_loop3A_199 = %parallel_loop3A_117 to %parallel_loop3A_118 step %parallel_loop3A_119 iter_args(%parallel_loop3A_200 = %broadcast_in_dim3A_13) -> (vector<16xi32>)  : i32 {
        %parallel_loop3A_201 = vector.broadcast %parallel_loop3A_199 : i32 to vector<16xi32>
        %parallel_loop3A_202 = arith.addi %mul3A_12, %parallel_loop3A_201 : vector<16xi32>
        %parallel_loop3A_203 = tpu.vector_load_idx %arg12[%parallel_loop3A_202] : memref<1056xi32, #tpu.memory_space<vmem>>[vector<16xi32>], vector<16xi32>,
        %parallel_loop3A_204 = vector.broadcast %parallel_loop3A_199 : i32 to vector<16xi32>
        %parallel_loop3A_205 = arith.addi %mul3A_12, %parallel_loop3A_204 : vector<16xi32>
        tpu.vector_store_idx %arg12[%parallel_loop3A_205], %broadcast_in_dim3A_13 : memref<1056xi32, #tpu.memory_space<vmem>>[vector<16xi32>], vector<16xi32>,
        %parallel_loop3A_206 = arith.addi %parallel_loop3A_200, %parallel_loop3A_203 : vector<16xi32>
        %parallel_loop3A_207 = arith.constant 1 : i32
        %parallel_loop3A_208 = vector.broadcast %parallel_loop3A_207 : i32 to vector<16xi32>
        %parallel_loop3A_209 = arith.addi %parallel_loop3A_206, %parallel_loop3A_208 : vector<16xi32>
        %parallel_loop3A_210 = arith.constant 127 : i32
        %parallel_loop3A_211 = vector.broadcast %parallel_loop3A_210 : i32 to vector<16xi32>
        %parallel_loop3A_212 = arith.minsi %parallel_loop3A_209, %parallel_loop3A_211 : vector<16xi32>
        %parallel_loop3A_213 = arith.addi %mul3A_6, %parallel_loop3A_206 : vector<16xi32>
        %parallel_loop3A_214 = tpu.vector_load_idx %arg11[%parallel_loop3A_213] : memref<2064xf32, #tpu.memory_space<vmem>>[vector<16xi32>], vector<16xf32>,
        %parallel_loop3A_215 = arith.addi %mul3A_6, %parallel_loop3A_212 : vector<16xi32>
        %parallel_loop3A_216 = tpu.vector_load_idx %arg11[%parallel_loop3A_215] : memref<2064xf32, #tpu.memory_space<vmem>>[vector<16xi32>], vector<16xf32>,
        %parallel_loop3A_217 = arith.addi %mul3A_3, %parallel_loop3A_206 : vector<16xi32>
        %parallel_loop3A_218 = tpu.vector_load_idx %arg6[%parallel_loop3A_217] : memref<2048xf32, #tpu.memory_space<vmem>>[vector<16xi32>], vector<16xf32>,
        %parallel_loop3A_219 = arith.addi %mul3A_3, %parallel_loop3A_212 : vector<16xi32>
        %parallel_loop3A_220 = tpu.vector_load_idx %arg6[%parallel_loop3A_219] : memref<2048xf32, #tpu.memory_space<vmem>>[vector<16xi32>], vector<16xf32>,
        %parallel_loop3A_221 = arith.sitofp %parallel_loop3A_199 : i32 to f32
        %parallel_loop3A_222 = arith.constant 2.000000e+00 : f32
        %parallel_loop3A_223 = arith.mulf %parallel_loop3A_221, %parallel_loop3A_222 : f32
        %parallel_loop3A_224 = arith.constant 1.000000e+00 : f32
        %parallel_loop3A_225 = arith.addf %parallel_loop3A_223, %parallel_loop3A_224 : f32
        %parallel_loop3A_226 = arith.constant 7.812500e-03 : f32
        %parallel_loop3A_227 = arith.mulf %parallel_loop3A_225, %parallel_loop3A_226 : f32
        %parallel_loop3A_228 = arith.subf %parallel_loop3A_216, %parallel_loop3A_214 : vector<16xf32>
        %parallel_loop3A_229 = arith.constant 0.000000e+00 : f32
        %parallel_loop3A_230 = vector.broadcast %parallel_loop3A_229 : f32 to vector<16xf32>
        %parallel_loop3A_231 = arith.cmpf ogt, %parallel_loop3A_228, %parallel_loop3A_230 : vector<16xf32>
        %parallel_loop3A_232 = vector.broadcast %parallel_loop3A_227 : f32 to vector<16xf32>
        %parallel_loop3A_233 = arith.subf %parallel_loop3A_232, %parallel_loop3A_214 : vector<16xf32>
        %parallel_loop3A_234 = arith.divf %parallel_loop3A_233, %parallel_loop3A_228 : vector<16xf32>
        %parallel_loop3A_235 = arith.constant 0.000000e+00 : f32
        %parallel_loop3A_236 = vector.broadcast %parallel_loop3A_235 : f32 to vector<16xf32>
        %parallel_loop3A_237 = arith.select %parallel_loop3A_231, %parallel_loop3A_234, %parallel_loop3A_236 : vector<16xi1>, vector<16xf32>
        %parallel_loop3A_238 = arith.constant 0.000000e+00 : f32
        %parallel_loop3A_239 = arith.constant 1.000000e+00 : f32
        %parallel_loop3A_240 = vector.broadcast %parallel_loop3A_238 : f32 to vector<16xf32>
        %parallel_loop3A_241 = arith.maximumf %parallel_loop3A_240, %parallel_loop3A_237 : vector<16xf32>
        %parallel_loop3A_242 = vector.broadcast %parallel_loop3A_239 : f32 to vector<16xf32>
        %parallel_loop3A_243 = arith.minimumf %parallel_loop3A_242, %parallel_loop3A_241 : vector<16xf32>
        %parallel_loop3A_244 = arith.subf %parallel_loop3A_220, %parallel_loop3A_218 : vector<16xf32>
        %parallel_loop3A_245 = arith.mulf %parallel_loop3A_243, %parallel_loop3A_244 : vector<16xf32>
        %parallel_loop3A_246 = arith.addf %parallel_loop3A_218, %parallel_loop3A_245 : vector<16xf32>
        %parallel_loop3A_247 = arith.constant 1 : i32
        %parallel_loop3A_248 = arith.addi %parallel_loop3A_199, %parallel_loop3A_247 : i32
        %parallel_loop3A_249 = vector.broadcast %parallel_loop3A_248 : i32 to vector<16xi32>
        %parallel_loop3A_250 = arith.addi %mul3A_9, %parallel_loop3A_249 : vector<16xi32>
        %parallel_loop3A_251 = arith.addi %parallel_loop3A_250, %parallel_loop3A_206 : vector<16xi32>
        tpu.vector_store_idx %arg7[%parallel_loop3A_251], %parallel_loop3A_246 : memref<3072xf32, #tpu.memory_space<vmem>>[vector<16xi32>], vector<16xf32>,
        scf.yield %parallel_loop3A_206 : vector<16xi32>
      } {sc.loop_unroll_factor = 8 : i64, sc.parallel_access}
      %mul3A_121 = arith.constant 2048 : i32
      %mul3A_122 = arith.muli %add3A, %mul3A_121 : i32
      %mul3A_123 = arith.constant 16 : i32
      %mul3A_124 = arith.muli %mul3A_73, %mul3A_123 : i32
      %add3A_125 = arith.addi %mul3A_122, %mul3A_124 : i32
      %mul3A_126 = arith.constant 192 : i32
      %mul3A_127 = arith.muli %add3A_125, %mul3A_126 : i32
      %dma_start3A_128 = tpu.memref_slice %arg4[%mul3A_127] : memref<12582912xf32, #tpu.memory_space<hbm>> -> memref<3072xf32, #tpu.memory_space<hbm>>
      %dma_start3A_129 = tpu.memref_slice %arg4[%mul3A_127] : memref<12582912xf32, #tpu.memory_space<hbm>> -> memref<3072xf32, #tpu.memory_space<hbm>>
      tpu.enqueue_dma source(%arg7 : memref<3072xf32, #tpu.memory_space<vmem>>) target(%dma_start3A_129 : memref<3072xf32, #tpu.memory_space<hbm>>) target_semaphore(%arg15 : memref<!tpu.dma_semaphore, #tpu.memory_space<semaphore_mem>>)
      %lt3A = arith.constant 63 : i32
      %lt3A_130 = arith.cmpi slt, %scan3A_71, %lt3A : i32
      %convert_element_type3A_131 = arith.extui %lt3A_130 : i1 to i32
      %cond3A_132 = arith.constant 0 : i32
      %cond3A_133 = arith.cmpi ne, %convert_element_type3A_131, %cond3A_132 : i32
      scf.if %cond3A_133 {
        %add3A_199 = arith.constant 2 : i32
        %add3A_200 = arith.addi %mul3A_73, %add3A_199 : i32
        %mul3A_201 = arith.constant 2048 : i32
        %mul3A_202 = arith.muli %add3A, %mul3A_201 : i32
        %mul3A_203 = arith.constant 16 : i32
        %mul3A_204 = arith.muli %add3A_200, %mul3A_203 : i32
        %add3A_205 = arith.addi %mul3A_202, %mul3A_204 : i32
        %mul3A_206 = arith.constant 128 : i32
        %mul3A_207 = arith.muli %add3A_205, %mul3A_206 : i32
        %dma_start3A_208 = tpu.memref_slice %arg2[%mul3A_207] : memref<8388608xf32, #tpu.memory_space<hbm>> -> memref<2048xf32, #tpu.memory_space<hbm>>
        %dma_start3A_209 = tpu.memref_slice %arg2[%mul3A_207] : memref<8388608xf32, #tpu.memory_space<hbm>> -> memref<2048xf32, #tpu.memory_space<hbm>>
        tpu.enqueue_dma source(%dma_start3A_209 : memref<2048xf32, #tpu.memory_space<hbm>>) target(%arg5 : memref<2048xf32, #tpu.memory_space<vmem>>) target_semaphore(%arg13 : memref<!tpu.dma_semaphore, #tpu.memory_space<semaphore_mem>>)
        %mul3A_210 = arith.constant 2048 : i32
        %mul3A_211 = arith.muli %add3A, %mul3A_210 : i32
        %mul3A_212 = arith.constant 16 : i32
        %mul3A_213 = arith.muli %add3A_200, %mul3A_212 : i32
        %add3A_214 = arith.addi %mul3A_211, %mul3A_213 : i32
        %mul3A_215 = arith.constant 128 : i32
        %mul3A_216 = arith.muli %add3A_214, %mul3A_215 : i32
        %dma_start3A_217 = tpu.memref_slice %arg3[%mul3A_216] : memref<8388608xf32, #tpu.memory_space<hbm>> -> memref<2048xf32, #tpu.memory_space<hbm>>
        %dma_start3A_218 = tpu.memref_slice %arg3[%mul3A_216] : memref<8388608xf32, #tpu.memory_space<hbm>> -> memref<2048xf32, #tpu.memory_space<hbm>>
        tpu.enqueue_dma source(%dma_start3A_218 : memref<2048xf32, #tpu.memory_space<hbm>>) target(%arg6 : memref<2048xf32, #tpu.memory_space<vmem>>) target_semaphore(%arg13 : memref<!tpu.dma_semaphore, #tpu.memory_space<semaphore_mem>>)
      } else {
      }
      %mul3A_134 = arith.constant 2048 : i32
      %mul3A_135 = arith.muli %add3A, %mul3A_134 : i32
      %mul3A_136 = arith.constant 16 : i32
      %mul3A_137 = arith.muli %add3A_75, %mul3A_136 : i32
      %add3A_138 = arith.addi %mul3A_135, %mul3A_137 : i32
      %mul3A_139 = arith.constant 128 : i32
      %mul3A_140 = arith.muli %add3A_138, %mul3A_139 : i32
      %dma_wait3A_141 = tpu.memref_slice %arg2[%mul3A_140] : memref<8388608xf32, #tpu.memory_space<hbm>> -> memref<2048xf32, #tpu.memory_space<hbm>>
      %dma_wait3A_142 = tpu.memref_slice %arg2[%mul3A_140] : memref<8388608xf32, #tpu.memory_space<hbm>> -> memref<2048xf32, #tpu.memory_space<hbm>>
      tpu.wait_dma2 semaphore(%arg14 : memref<!tpu.dma_semaphore, #tpu.memory_space<semaphore_mem>>) src(%dma_wait3A_142 : memref<2048xf32, #tpu.memory_space<hbm>>) dst(%arg8 : memref<2048xf32, #tpu.memory_space<vmem>>)
      %mul3A_143 = arith.constant 2048 : i32
      %mul3A_144 = arith.muli %add3A, %mul3A_143 : i32
      %mul3A_145 = arith.constant 16 : i32
      %mul3A_146 = arith.muli %add3A_75, %mul3A_145 : i32
      %add3A_147 = arith.addi %mul3A_144, %mul3A_146 : i32
      %mul3A_148 = arith.constant 128 : i32
      %mul3A_149 = arith.muli %add3A_147, %mul3A_148 : i32
      %dma_wait3A_150 = tpu.memref_slice %arg3[%mul3A_149] : memref<8388608xf32, #tpu.memory_space<hbm>> -> memref<2048xf32, #tpu.memory_space<hbm>>
      %dma_wait3A_151 = tpu.memref_slice %arg3[%mul3A_149] : memref<8388608xf32, #tpu.memory_space<hbm>> -> memref<2048xf32, #tpu.memory_space<hbm>>
      tpu.wait_dma2 semaphore(%arg14 : memref<!tpu.dma_semaphore, #tpu.memory_space<semaphore_mem>>) src(%dma_wait3A_151 : memref<2048xf32, #tpu.memory_space<hbm>>) dst(%arg9 : memref<2048xf32, #tpu.memory_space<vmem>>)
      %gt3A_152 = arith.constant 0 : i32
      %gt3A_153 = arith.cmpi sgt, %scan3A_71, %gt3A_152 : i32
      %convert_element_type3A_154 = arith.extui %gt3A_153 : i1 to i32
      %cond3A_155 = arith.constant 0 : i32
      %cond3A_156 = arith.cmpi ne, %convert_element_type3A_154, %cond3A_155 : i32
      scf.if %cond3A_156 {
        %sub3A_199 = arith.constant 2 : i32
        %sub3A_200 = arith.subi %add3A_75, %sub3A_199 : i32
        %mul3A_201 = arith.constant 2048 : i32
        %mul3A_202 = arith.muli %add3A, %mul3A_201 : i32
        %mul3A_203 = arith.constant 16 : i32
        %mul3A_204 = arith.muli %sub3A_200, %mul3A_203 : i32
        %add3A_205 = arith.addi %mul3A_202, %mul3A_204 : i32
        %mul3A_206 = arith.constant 192 : i32
        %mul3A_207 = arith.muli %add3A_205, %mul3A_206 : i32
        %dma_wait3A_208 = tpu.memref_slice %arg4[%mul3A_207] : memref<12582912xf32, #tpu.memory_space<hbm>> -> memref<3072xf32, #tpu.memory_space<hbm>>
        %dma_wait3A_209 = tpu.memref_slice %arg4[%mul3A_207] : memref<12582912xf32, #tpu.memory_space<hbm>> -> memref<3072xf32, #tpu.memory_space<hbm>>
        tpu.wait_dma2 semaphore(%arg16 : memref<!tpu.dma_semaphore, #tpu.memory_space<semaphore_mem>>) src(%arg10 : memref<3072xf32, #tpu.memory_space<vmem>>) dst(%dma_wait3A_209 : memref<3072xf32, #tpu.memory_space<hbm>>)
      } else {
      }
      tpu.vector_store_idx %arg11[%mul3A_6], %broadcast_in_dim3A_15 : memref<2064xf32, #tpu.memory_space<vmem>>[vector<16xi32>], vector<16xf32>,
      %parallel_loop3A_157 = arith.constant 0 : i32
      %parallel_loop3A_158 = arith.constant 128 : i32
      %parallel_loop3A_159 = arith.constant 1 : i32
      %parallel_loop3A_160 = scf.for %parallel_loop3A_199 = %parallel_loop3A_157 to %parallel_loop3A_158 step %parallel_loop3A_159 iter_args(%parallel_loop3A_200 = %broadcast_in_dim3A_15) -> (vector<16xf32>)  : i32 {
        %parallel_loop3A_201 = vector.broadcast %parallel_loop3A_199 : i32 to vector<16xi32>
        %parallel_loop3A_202 = arith.addi %mul3A_3, %parallel_loop3A_201 : vector<16xi32>
        %parallel_loop3A_203 = tpu.vector_load_idx %arg8[%parallel_loop3A_202] : memref<2048xf32, #tpu.memory_space<vmem>>[vector<16xi32>], vector<16xf32>,
        %parallel_loop3A_204 = arith.addf %parallel_loop3A_200, %parallel_loop3A_203 : vector<16xf32>
        scf.yield %parallel_loop3A_204 : vector<16xf32>
      } {sc.loop_unroll_factor = 8 : i64, sc.parallel_access}
      %sub3A_161 = arith.constant 9.99999974E-6 : f32
      %sub3A_162 = vector.broadcast %sub3A_161 : f32 to vector<16xf32>
      %sub3A_163 = arith.subf %sub3A_162, %parallel_loop3A_160 : vector<16xf32>
      %max3A_164 = arith.constant 0.000000e+00 : f32
      %max3A_165 = vector.broadcast %max3A_164 : f32 to vector<16xf32>
      %max3A_166 = arith.maximumf %sub3A_163, %max3A_165 : vector<16xf32>
      %mul3A_167 = arith.constant 7.812500e-03 : f32
      %mul3A_168 = vector.broadcast %mul3A_167 : f32 to vector<16xf32>
      %mul3A_169 = arith.mulf %max3A_166, %mul3A_168 : vector<16xf32>
      %mul3A_170 = arith.constant 1.280000e+02 : f32
      %mul3A_171 = vector.broadcast %mul3A_170 : f32 to vector<16xf32>
      %mul3A_172 = arith.mulf %mul3A_169, %mul3A_171 : vector<16xf32>
      %add3A_173 = arith.addf %parallel_loop3A_160, %mul3A_172 : vector<16xf32>
      %div3A_174 = arith.constant 1.000000e+00 : f32
      %div3A_175 = vector.broadcast %div3A_174 : f32 to vector<16xf32>
      %div3A_176 = arith.divf %div3A_175, %add3A_173 : vector<16xf32>
      %parallel_loop3A_177 = arith.constant 0 : i32
      %parallel_loop3A_178 = arith.constant 128 : i32
      %parallel_loop3A_179 = arith.constant 1 : i32
      %parallel_loop3A_180:2 = scf.for %parallel_loop3A_199 = %parallel_loop3A_177 to %parallel_loop3A_178 step %parallel_loop3A_179 iter_args(%parallel_loop3A_200 = %broadcast_in_dim3A_15, %parallel_loop3A_201 = %broadcast_in_dim3A_13) -> (vector<16xf32>, vector<16xi32>)  : i32 {
        %parallel_loop3A_202 = vector.broadcast %parallel_loop3A_199 : i32 to vector<16xi32>
        %parallel_loop3A_203 = arith.addi %mul3A_3, %parallel_loop3A_202 : vector<16xi32>
        %parallel_loop3A_204 = tpu.vector_load_idx %arg8[%parallel_loop3A_203] : memref<2048xf32, #tpu.memory_space<vmem>>[vector<16xi32>], vector<16xf32>,
        %parallel_loop3A_205 = arith.addf %parallel_loop3A_200, %parallel_loop3A_204 : vector<16xf32>
        %parallel_loop3A_206 = arith.constant 1 : i32
        %parallel_loop3A_207 = arith.addi %parallel_loop3A_199, %parallel_loop3A_206 : i32
        %parallel_loop3A_208 = arith.sitofp %parallel_loop3A_207 : i32 to f32
        %parallel_loop3A_209 = vector.broadcast %parallel_loop3A_208 : f32 to vector<16xf32>
        %parallel_loop3A_210 = arith.mulf %parallel_loop3A_209, %mul3A_169 : vector<16xf32>
        %parallel_loop3A_211 = arith.addf %parallel_loop3A_205, %parallel_loop3A_210 : vector<16xf32>
        %parallel_loop3A_212 = arith.mulf %parallel_loop3A_211, %div3A_176 : vector<16xf32>
        %parallel_loop3A_213 = arith.constant 1 : i32
        %parallel_loop3A_214 = arith.addi %parallel_loop3A_199, %parallel_loop3A_213 : i32
        %parallel_loop3A_215 = vector.broadcast %parallel_loop3A_214 : i32 to vector<16xi32>
        %parallel_loop3A_216 = arith.addi %mul3A_6, %parallel_loop3A_215 : vector<16xi32>
        tpu.vector_store_idx %arg11[%parallel_loop3A_216], %parallel_loop3A_212 : memref<2064xf32, #tpu.memory_space<vmem>>[vector<16xi32>], vector<16xf32>,
        %parallel_loop3A_217 = arith.constant 6.400000e+01 : f32
        %parallel_loop3A_218 = vector.broadcast %parallel_loop3A_217 : f32 to vector<16xf32>
        %parallel_loop3A_219 = arith.mulf %parallel_loop3A_212, %parallel_loop3A_218 : vector<16xf32>
        %parallel_loop3A_220 = arith.constant 5.000000e-01 : f32
        %parallel_loop3A_221 = vector.broadcast %parallel_loop3A_220 : f32 to vector<16xf32>
        %parallel_loop3A_222 = arith.addf %parallel_loop3A_219, %parallel_loop3A_221 : vector<16xf32>
        %parallel_loop3A_223 = arith.fptosi %parallel_loop3A_222 : vector<16xf32> to vector<16xi32>
        %parallel_loop3A_224 = vector.broadcast %parallel_loop3A_199 : i32 to vector<16xi32>
        %parallel_loop3A_225 = arith.addi %mul3A_3, %parallel_loop3A_224 : vector<16xi32>
        %parallel_loop3A_226 = tpu.vector_load_idx %arg9[%parallel_loop3A_225] : memref<2048xf32, #tpu.memory_space<vmem>>[vector<16xi32>], vector<16xf32>,
        %parallel_loop3A_227 = vector.broadcast %parallel_loop3A_199 : i32 to vector<16xi32>
        %parallel_loop3A_228 = arith.addi %mul3A_9, %parallel_loop3A_227 : vector<16xi32>
        %parallel_loop3A_229 = arith.addi %parallel_loop3A_228, %parallel_loop3A_201 : vector<16xi32>
        tpu.vector_store_idx %arg10[%parallel_loop3A_229], %parallel_loop3A_226 : memref<3072xf32, #tpu.memory_space<vmem>>[vector<16xi32>], vector<16xf32>,
        %parallel_loop3A_230 = arith.addi %mul3A_12, %parallel_loop3A_223 : vector<16xi32>
        tpu.vector_store_idx %arg12[%parallel_loop3A_230], %broadcast_in_dim3A_17 {add = true} : memref<1056xi32, #tpu.memory_space<vmem>>[vector<16xi32>], vector<16xi32>,
        scf.yield %parallel_loop3A_205, %parallel_loop3A_223 : vector<16xf32>, vector<16xi32>
      } {sc.loop_unroll_factor = 8 : i64, sc.parallel_access}
      %parallel_loop3A_181 = arith.constant 0 : i32
      %parallel_loop3A_182 = arith.constant 64 : i32
      %parallel_loop3A_183 = arith.constant 1 : i32
      %parallel_loop3A_184 = scf.for %parallel_loop3A_199 = %parallel_loop3A_181 to %parallel_loop3A_182 step %parallel_loop3A_183 iter_args(%parallel_loop3A_200 = %broadcast_in_dim3A_13) -> (vector<16xi32>)  : i32 {
        %parallel_loop3A_201 = vector.broadcast %parallel_loop3A_199 : i32 to vector<16xi32>
        %parallel_loop3A_202 = arith.addi %mul3A_12, %parallel_loop3A_201 : vector<16xi32>
        %parallel_loop3A_203 = tpu.vector_load_idx %arg12[%parallel_loop3A_202] : memref<1056xi32, #tpu.memory_space<vmem>>[vector<16xi32>], vector<16xi32>,
        %parallel_loop3A_204 = vector.broadcast %parallel_loop3A_199 : i32 to vector<16xi32>
        %parallel_loop3A_205 = arith.addi %mul3A_12, %parallel_loop3A_204 : vector<16xi32>
        tpu.vector_store_idx %arg12[%parallel_loop3A_205], %broadcast_in_dim3A_13 : memref<1056xi32, #tpu.memory_space<vmem>>[vector<16xi32>], vector<16xi32>,
        %parallel_loop3A_206 = arith.addi %parallel_loop3A_200, %parallel_loop3A_203 : vector<16xi32>
        %parallel_loop3A_207 = arith.constant 1 : i32
        %parallel_loop3A_208 = vector.broadcast %parallel_loop3A_207 : i32 to vector<16xi32>
        %parallel_loop3A_209 = arith.addi %parallel_loop3A_206, %parallel_loop3A_208 : vector<16xi32>
        %parallel_loop3A_210 = arith.constant 127 : i32
        %parallel_loop3A_211 = vector.broadcast %parallel_loop3A_210 : i32 to vector<16xi32>
        %parallel_loop3A_212 = arith.minsi %parallel_loop3A_209, %parallel_loop3A_211 : vector<16xi32>
        %parallel_loop3A_213 = arith.addi %mul3A_6, %parallel_loop3A_206 : vector<16xi32>
        %parallel_loop3A_214 = tpu.vector_load_idx %arg11[%parallel_loop3A_213] : memref<2064xf32, #tpu.memory_space<vmem>>[vector<16xi32>], vector<16xf32>,
        %parallel_loop3A_215 = arith.addi %mul3A_6, %parallel_loop3A_212 : vector<16xi32>
        %parallel_loop3A_216 = tpu.vector_load_idx %arg11[%parallel_loop3A_215] : memref<2064xf32, #tpu.memory_space<vmem>>[vector<16xi32>], vector<16xf32>,
        %parallel_loop3A_217 = arith.addi %mul3A_3, %parallel_loop3A_206 : vector<16xi32>
        %parallel_loop3A_218 = tpu.vector_load_idx %arg9[%parallel_loop3A_217] : memref<2048xf32, #tpu.memory_space<vmem>>[vector<16xi32>], vector<16xf32>,
        %parallel_loop3A_219 = arith.addi %mul3A_3, %parallel_loop3A_212 : vector<16xi32>
        %parallel_loop3A_220 = tpu.vector_load_idx %arg9[%parallel_loop3A_219] : memref<2048xf32, #tpu.memory_space<vmem>>[vector<16xi32>], vector<16xf32>,
        %parallel_loop3A_221 = arith.sitofp %parallel_loop3A_199 : i32 to f32
        %parallel_loop3A_222 = arith.constant 2.000000e+00 : f32
        %parallel_loop3A_223 = arith.mulf %parallel_loop3A_221, %parallel_loop3A_222 : f32
        %parallel_loop3A_224 = arith.constant 1.000000e+00 : f32
        %parallel_loop3A_225 = arith.addf %parallel_loop3A_223, %parallel_loop3A_224 : f32
        %parallel_loop3A_226 = arith.constant 7.812500e-03 : f32
        %parallel_loop3A_227 = arith.mulf %parallel_loop3A_225, %parallel_loop3A_226 : f32
        %parallel_loop3A_228 = arith.subf %parallel_loop3A_216, %parallel_loop3A_214 : vector<16xf32>
        %parallel_loop3A_229 = arith.constant 0.000000e+00 : f32
        %parallel_loop3A_230 = vector.broadcast %parallel_loop3A_229 : f32 to vector<16xf32>
        %parallel_loop3A_231 = arith.cmpf ogt, %parallel_loop3A_228, %parallel_loop3A_230 : vector<16xf32>
        %parallel_loop3A_232 = vector.broadcast %parallel_loop3A_227 : f32 to vector<16xf32>
        %parallel_loop3A_233 = arith.subf %parallel_loop3A_232, %parallel_loop3A_214 : vector<16xf32>
        %parallel_loop3A_234 = arith.divf %parallel_loop3A_233, %parallel_loop3A_228 : vector<16xf32>
        %parallel_loop3A_235 = arith.constant 0.000000e+00 : f32
        %parallel_loop3A_236 = vector.broadcast %parallel_loop3A_235 : f32 to vector<16xf32>
        %parallel_loop3A_237 = arith.select %parallel_loop3A_231, %parallel_loop3A_234, %parallel_loop3A_236 : vector<16xi1>, vector<16xf32>
        %parallel_loop3A_238 = arith.constant 0.000000e+00 : f32
        %parallel_loop3A_239 = arith.constant 1.000000e+00 : f32
        %parallel_loop3A_240 = vector.broadcast %parallel_loop3A_238 : f32 to vector<16xf32>
        %parallel_loop3A_241 = arith.maximumf %parallel_loop3A_240, %parallel_loop3A_237 : vector<16xf32>
        %parallel_loop3A_242 = vector.broadcast %parallel_loop3A_239 : f32 to vector<16xf32>
        %parallel_loop3A_243 = arith.minimumf %parallel_loop3A_242, %parallel_loop3A_241 : vector<16xf32>
        %parallel_loop3A_244 = arith.subf %parallel_loop3A_220, %parallel_loop3A_218 : vector<16xf32>
        %parallel_loop3A_245 = arith.mulf %parallel_loop3A_243, %parallel_loop3A_244 : vector<16xf32>
        %parallel_loop3A_246 = arith.addf %parallel_loop3A_218, %parallel_loop3A_245 : vector<16xf32>
        %parallel_loop3A_247 = arith.constant 1 : i32
        %parallel_loop3A_248 = arith.addi %parallel_loop3A_199, %parallel_loop3A_247 : i32
        %parallel_loop3A_249 = vector.broadcast %parallel_loop3A_248 : i32 to vector<16xi32>
        %parallel_loop3A_250 = arith.addi %mul3A_9, %parallel_loop3A_249 : vector<16xi32>
        %parallel_loop3A_251 = arith.addi %parallel_loop3A_250, %parallel_loop3A_206 : vector<16xi32>
        tpu.vector_store_idx %arg10[%parallel_loop3A_251], %parallel_loop3A_246 : memref<3072xf32, #tpu.memory_space<vmem>>[vector<16xi32>], vector<16xf32>,
        scf.yield %parallel_loop3A_206 : vector<16xi32>
      } {sc.loop_unroll_factor = 8 : i64, sc.parallel_access}
      %mul3A_185 = arith.constant 2048 : i32
      %mul3A_186 = arith.muli %add3A, %mul3A_185 : i32
      %mul3A_187 = arith.constant 16 : i32
      %mul3A_188 = arith.muli %add3A_75, %mul3A_187 : i32
      %add3A_189 = arith.addi %mul3A_186, %mul3A_188 : i32
      %mul3A_190 = arith.constant 192 : i32
      %mul3A_191 = arith.muli %add3A_189, %mul3A_190 : i32
      %dma_start3A_192 = tpu.memref_slice %arg4[%mul3A_191] : memref<12582912xf32, #tpu.memory_space<hbm>> -> memref<3072xf32, #tpu.memory_space<hbm>>
      %dma_start3A_193 = tpu.memref_slice %arg4[%mul3A_191] : memref<12582912xf32, #tpu.memory_space<hbm>> -> memref<3072xf32, #tpu.memory_space<hbm>>
      tpu.enqueue_dma source(%arg10 : memref<3072xf32, #tpu.memory_space<vmem>>) target(%dma_start3A_193 : memref<3072xf32, #tpu.memory_space<hbm>>) target_semaphore(%arg16 : memref<!tpu.dma_semaphore, #tpu.memory_space<semaphore_mem>>)
      %lt3A_194 = arith.constant 63 : i32
      %lt3A_195 = arith.cmpi slt, %scan3A_71, %lt3A_194 : i32
      %convert_element_type3A_196 = arith.extui %lt3A_195 : i1 to i32
      %cond3A_197 = arith.constant 0 : i32
      %cond3A_198 = arith.cmpi ne, %convert_element_type3A_196, %cond3A_197 : i32
      scf.if %cond3A_198 {
        %add3A_199 = arith.constant 2 : i32
        %add3A_200 = arith.addi %add3A_75, %add3A_199 : i32
        %mul3A_201 = arith.constant 2048 : i32
        %mul3A_202 = arith.muli %add3A, %mul3A_201 : i32
        %mul3A_203 = arith.constant 16 : i32
        %mul3A_204 = arith.muli %add3A_200, %mul3A_203 : i32
        %add3A_205 = arith.addi %mul3A_202, %mul3A_204 : i32
        %mul3A_206 = arith.constant 128 : i32
        %mul3A_207 = arith.muli %add3A_205, %mul3A_206 : i32
        %dma_start3A_208 = tpu.memref_slice %arg2[%mul3A_207] : memref<8388608xf32, #tpu.memory_space<hbm>> -> memref<2048xf32, #tpu.memory_space<hbm>>
        %dma_start3A_209 = tpu.memref_slice %arg2[%mul3A_207] : memref<8388608xf32, #tpu.memory_space<hbm>> -> memref<2048xf32, #tpu.memory_space<hbm>>
        tpu.enqueue_dma source(%dma_start3A_209 : memref<2048xf32, #tpu.memory_space<hbm>>) target(%arg8 : memref<2048xf32, #tpu.memory_space<vmem>>) target_semaphore(%arg14 : memref<!tpu.dma_semaphore, #tpu.memory_space<semaphore_mem>>)
        %mul3A_210 = arith.constant 2048 : i32
        %mul3A_211 = arith.muli %add3A, %mul3A_210 : i32
        %mul3A_212 = arith.constant 16 : i32
        %mul3A_213 = arith.muli %add3A_200, %mul3A_212 : i32
        %add3A_214 = arith.addi %mul3A_211, %mul3A_213 : i32
        %mul3A_215 = arith.constant 128 : i32
        %mul3A_216 = arith.muli %add3A_214, %mul3A_215 : i32
        %dma_start3A_217 = tpu.memref_slice %arg3[%mul3A_216] : memref<8388608xf32, #tpu.memory_space<hbm>> -> memref<2048xf32, #tpu.memory_space<hbm>>
        %dma_start3A_218 = tpu.memref_slice %arg3[%mul3A_216] : memref<8388608xf32, #tpu.memory_space<hbm>> -> memref<2048xf32, #tpu.memory_space<hbm>>
        tpu.enqueue_dma source(%dma_start3A_218 : memref<2048xf32, #tpu.memory_space<hbm>>) target(%arg9 : memref<2048xf32, #tpu.memory_space<vmem>>) target_semaphore(%arg14 : memref<!tpu.dma_semaphore, #tpu.memory_space<semaphore_mem>>)
      } else {
      }
    }
    %scan3A_55 = arith.constant 64 : i32
    %mul3A_56 = arith.constant 2048 : i32
    %mul3A_57 = arith.muli %add3A, %mul3A_56 : i32
    %add3A_58 = arith.constant 2016 : i32
    %add3A_59 = arith.addi %mul3A_57, %add3A_58 : i32
    %mul3A_60 = arith.constant 192 : i32
    %mul3A_61 = arith.muli %add3A_59, %mul3A_60 : i32
    %dma_wait3A = tpu.memref_slice %arg4[%mul3A_61] : memref<12582912xf32, #tpu.memory_space<hbm>> -> memref<3072xf32, #tpu.memory_space<hbm>>
    %dma_wait3A_62 = tpu.memref_slice %arg4[%mul3A_61] : memref<12582912xf32, #tpu.memory_space<hbm>> -> memref<3072xf32, #tpu.memory_space<hbm>>
    tpu.wait_dma2 semaphore(%arg15 : memref<!tpu.dma_semaphore, #tpu.memory_space<semaphore_mem>>) src(%arg7 : memref<3072xf32, #tpu.memory_space<vmem>>) dst(%dma_wait3A_62 : memref<3072xf32, #tpu.memory_space<hbm>>)
    %mul3A_63 = arith.constant 2048 : i32
    %mul3A_64 = arith.muli %add3A, %mul3A_63 : i32
    %add3A_65 = arith.constant 2032 : i32
    %add3A_66 = arith.addi %mul3A_64, %add3A_65 : i32
    %mul3A_67 = arith.constant 192 : i32
    %mul3A_68 = arith.muli %add3A_66, %mul3A_67 : i32
    %dma_wait3A_69 = tpu.memref_slice %arg4[%mul3A_68] : memref<12582912xf32, #tpu.memory_space<hbm>> -> memref<3072xf32, #tpu.memory_space<hbm>>
    %dma_wait3A_70 = tpu.memref_slice %arg4[%mul3A_68] : memref<12582912xf32, #tpu.memory_space<hbm>> -> memref<3072xf32, #tpu.memory_space<hbm>>
    tpu.wait_dma2 semaphore(%arg16 : memref<!tpu.dma_semaphore, #tpu.memory_space<semaphore_mem>>) src(%arg10 : memref<3072xf32, #tpu.memory_space<vmem>>) dst(%dma_wait3A_70 : memref<3072xf32, #tpu.memory_space<hbm>>)
    return
  }
}

</mosaic_0001>

<sc_bundles>
// kernel: kernel.3.cloned.1.call-start
scs
__scs_entry_jumppad:
0x0: {  	(pc) =	sbr.rel $0x88, $3  }
0x1: {  	(tag) =	ssettag $0x0;
	lr =	simm.s32 $0x1  }
0x2: {  	[smem:$0x3F9F] =	sst lr;
	_ =	strace $0xD0000000  }
0x3: {  	_ = 	snop  }
0x4: {  	_ = 	snop  }
0x5: {  	_ = 	snop  }
0x6: {  	_ = 	snop  }
0x7: {  	_ = 	snop  }
__scs_overlays_trampoline_lowered:
0x8: {  	[smem:$0x3FAE] =	sst s0  }
0x9: {  	[smem:$0x3FAF] =	sst s1  }
0xa: {  	[smem:$0x3FB0] =	sst s2  }
0xb: {  	[smem:$0x3FB1] =	sst s3  }
0xc: {  	[smem:$0x3FB2] =	sst s4  }
0xd: {  	[smem:$0x3FB3] =	sst s5  }
0xe: {  	[smem:$0x3FB4] =	sst s6  }
0xf: {  	[smem:$0x3FB5] =	sst s7  }
0x10: {  	[smem:$0x3FB6] =	sst s8  }
0x11: {  	[smem:$0x3FB7] =	sst s9;
	s0 =	simm.s32 @!p0 $0x0  }
0x12: {  	s1 =	sld [smem:$0x3F9D];
	s0 =	simm.s32 @p0 $0x1  }
0x13: {  	[smem:$0x3FB8] =	sst s0;
	s0 =	simm.s32 @!p1 $0x0  }
0x14: {  	s2 =	sld [smem:$0x3F9C];
	s0 =	simm.s32 @p1 $0x1  }
0x15: {  	[smem:$0x3FB9] =	sst s0;
	s0 =	simm.s32 @!p2 $0x0  }
0x16: {  	s3 =	sld [smem:$0x3FDB];
	s0 =	simm.s32 @p2 $0x1  }
0x17: {  	s4 =	simm.s32 $0x1BF5;
	[smem:$0x3FBB] =	sst s0  }
0x18: {  	s0 =	sld [smem:$0x3F9E];
	_ =	swait.ge [sflag:s4], $0x0  }
0x19: {  	s7 =	sld [smem:$0x3F9F]  }
0x1a: {  	s8 =	sadd.s32 $0xFFFFE003, lr  }
0x1b: {  	s9 =	sadd.s32 $0xFFFFFEF7, lr;
	s5 =	simm.s32 $0xFFFFFFFF;
	p2 =	slt.u32 s8, $0xFFFFF086  }
0x1c: {  	p1 =	slt.u32 s9, $0xF7A;
	s5 =	simm.s32 @!p2 $0x0  }
0x1d: {  	s5 =	simm.s32 @p1 $0x1;
	p0 =	seq.s32 s7, s2  }
0x1e: {  	s7 =	smul.u32 @!p0 $0xF7A, s2;
	p2 =	seq.s32 @!p0 s5, $0x0  }
0x1f: {  	s9 =	smul.u32 $0xF7A, s1;
	s8 =	simm.s32 @!p0 $0x1BF5;
	p2 =	por !p2, p0  }
0x20: {  	[sflag:s8] =	ssyncset.s32 @!p0 $0xFFFFF086;
	s6 =	sadd.s32 @!p0 s3, s7;
	s7 =	simm.s32 @!p0 $0x108  }
0x21: {  	s3 =	sadd.s32 s3, s9;
	s6 =	sadd.s32 @!p0 $0x88, s6;
	s7 =	simm.s32 @p2 $0x1082  }
0x22: {  	[simem:s7], [sflag:s8] =	dma.local @!p0 [hbm:s6], $0xF7A  }
0x23: {  	s9 =	sor.u32 $0xD0000000, s2;
	s6 =	simm.s32 $0x108;
	_ =	swait.ge @!p0 [sflag:s8], $0x0  }
0x24: {  	s3 =	sadd.s32 $0x88, s3;
	s6 =	simm.s32 @!p1 $0x1082;
	[sflag:s4] =	ssyncset.s32 $0xFFFFF086  }
0x25: {  	[simem:s6], [sflag:s4] =	dma.local [hbm:s3], $0xF7A  }
0x26: {  	[smem:$0x3F9F] =	sst s1;
	(tag) =	ssettag s2;
	_ =	strace s9  }
0x27: {  	s1 =	sld [smem:$0x3FAF]  }
0x28: {  	s2 =	sld [smem:$0x3FB0]  }
0x29: {  	s4 =	sld [smem:$0x3FB2]  }
0x2a: {  	p0 =	seq.s32 s5, $0x0;
	s5 =	sld [smem:$0x3FB3]  }
0x2b: {  	s6 =	sld [smem:$0x3FB4]  }
0x2c: {  	s7 =	sld [smem:$0x3FB5]  }
0x2d: {  	s3 =	simm.s32 $0x108;
	s8 =	sld [smem:$0x3FB6]  }
0x2e: {  	s3 =	simm.s32 @!p0 $0x1082;
	s9 =	sld [smem:$0x3FB7]  }
0x2f: {  	lr =	sadd.s32 s0, s3;
	s0 =	sld [smem:$0x3FAE]  }
0x30: {  	s3 =	sld [smem:$0x3FB1]  }
0x31: {  	[smem:$0x3FBA] =	sst s10  }
0x32: {  	s10 =	sld [smem:$0x3FB8];
	_ =	sdelay $0x3  }
0x33: {  	p0 =	seq.s32 s10, $0x1;
	s10 =	sld [smem:$0x3FBA];
	_ =	sdelay $0x3  }
0x34: {  	[smem:$0x3FBA] =	sst s10  }
0x35: {  	s10 =	sld [smem:$0x3FB9];
	_ =	sdelay $0x3  }
0x36: {  	p1 =	seq.s32 s10, $0x1;
	s10 =	sld [smem:$0x3FBA];
	_ =	sdelay $0x3  }
0x37: {  	[smem:$0x3FBA] =	sst s10  }
0x38: {  	s10 =	sld [smem:$0x3FBB]  }
0x39: {  	_ = 	snop;
	(pc) =	sbr.ind lr, $3  }
0x3a: {  	_ = 	snop  }
0x3b: {  	_ = 	snop  }
0x3c: {  	p2 =	seq.s32 s10, $0x1;
	s10 =	sld [smem:$0x3FBA]  }
0x3d: {  	_ =	shalt  }
0x3e: {  	_ =	shalt  }
0x3f: {  	_ =	shalt  }
0x40: {  	_ =	shalt  }
0x41: {  	_ =	shalt  }
0x42: {  	_ =	shalt  }
0x43: {  	_ =	shalt  }
0x44: {  	_ =	shalt  }
0x45: {  	_ =	shalt  }
0x46: {  	_ =	shalt  }
0x47: {  	_ =	shalt  }
0x48: {  	_ =	shalt  }
0x49: {  	_ =	shalt  }
0x4a: {  	_ =	shalt  }
0x4b: {  	_ =	shalt  }
0x4c: {  	_ =	shalt  }
0x4d: {  	_ =	shalt  }
0x4e: {  	_ =	shalt  }
0x4f: {  	_ =	shalt  }
0x50: {  	_ =	shalt  }
0x51: {  	_ =	shalt  }
0x52: {  	_ =	shalt  }
0x53: {  	_ =	shalt  }
0x54: {  	_ =	shalt  }
0x55: {  	_ =	shalt  }
0x56: {  	_ =	shalt  }
0x57: {  	_ =	shalt  }
0x58: {  	_ =	shalt  }
0x59: {  	_ =	shalt  }
0x5a: {  	_ =	shalt  }
0x5b: {  	_ =	shalt  }
0x5c: {  	_ =	shalt  }
0x5d: {  	_ =	shalt  }
0x5e: {  	_ =	shalt  }
0x5f: {  	_ =	shalt  }
0x60: {  	_ =	shalt  }
0x61: {  	_ =	shalt  }
0x62: {  	_ =	shalt  }
0x63: {  	_ =	shalt  }
0x64: {  	_ =	shalt  }
0x65: {  	_ =	shalt  }
0x66: {  	_ =	shalt  }
0x67: {  	_ =	shalt  }
0x68: {  	_ =	shalt  }
0x69: {  	_ =	shalt  }
0x6a: {  	_ =	shalt  }
0x6b: {  	_ =	shalt  }
0x6c: {  	_ =	shalt  }
0x6d: {  	_ =	shalt  }
0x6e: {  	_ =	shalt  }
0x6f: {  	_ =	shalt  }
0x70: {  	_ =	shalt  }
0x71: {  	_ =	shalt  }
0x72: {  	_ =	shalt  }
0x73: {  	_ =	shalt  }
0x74: {  	_ =	shalt  }
0x75: {  	_ =	shalt  }
0x76: {  	_ =	shalt  }
0x77: {  	_ =	shalt  }
0x78: {  	_ =	shalt  }
0x79: {  	_ =	shalt  }
0x7a: {  	_ =	shalt  }
0x7b: {  	_ =	shalt  }
0x7c: {  	_ =	shalt  }
0x7d: {  	_ =	shalt  }
0x7e: {  	_ =	shalt  }
0x7f: {  	_ =	shalt  }
0x80: {  	_ =	shalt  }
0x81: {  	_ =	shalt  }
0x82: {  	_ =	shalt  }
0x83: {  	_ =	shalt  }
0x84: {  	_ =	shalt  }
0x85: {  	_ =	shalt  }
0x86: {  	_ =	shalt  }
0x87: {  	_ =	shalt  }
.Lfunc_end0:
.L_simem_size_0:
called_computation.1_lowered:
.L_overlay_start_0:
0x88: {  	s2 =	sld [smem:$0x3FD9]  }
0x89: {  	s3 =	sld [smem:$0x3FFE];
	_ =	sdelay $0x1  }
0x8a: {  	s1 =	srdreg.scid  }
0x8b: {  	s0 =	sand.u32 $0x1, s1  }
0x8c: {  	s18 =	sshll.u32 s0, $0xA;
	s2 =	sadd.s32 s3, s2  }
0x8d: {  	s2 =	sadd.s32 s2, s18  }
0x8e: {  	[smem:$0x3FC6] =	sst s2  }
0x8f: {  	_ = 	snop  }
0x90: {  	s2 =	sld [smem:$0x3FC9]  }
0x91: {  	s19 =	sld [smem:$0x3FC8]  }
0x92: {  	s4 =	sld [smem:$0x3FD0];
	(tm) =	ssettm $0x1  }
0x93: {  	s5 =	sld [smem:$0x3FFB];
	_ =	sdelay $0x3  }
0x94: {  	_ =	strace s5  }
0x95: {  	s5 =	sld [smem:$0x3FFC];
	_ =	sdelay $0x3  }
0x96: {  	_ =	strace s5  }
0x97: {  	s5 =	sld [smem:$0x3FFD];
	_ =	sdelay $0x3  }
0x98: {  	_ =	strace s5  }
0x99: {  	_ =	strace $0x8FFFFFFF  }
0x9a: {  	s20 =	sld [smem:$0x3FDB];
	_ =	sdelay $0x1  }
0x9b: {  	s6 =	simm.s32 $_scs_section_size  }
0x9c: {  	s7 =	simm.s32 $_size__tile_overlayer_lowered;
	s8 =	simm.s32 $_tile_overlayer_lowered  }
0x9d: {  	s23 =	simm.s32 $0x1BFF;
	s22 =	sshll.u32 s8, $0x1;
	s5 =	sadd.s32 s6, s20  }
0x9e: {  	s9 =	simm.s32 $0x0;
	s21 =	sshll.u32 s7, $0x1;
	s7 =	sadd.s32 s22, s5  }
0x9f: {  	[timem:s9], [sflag:s23] =	dma.local [hbm:s7], s21  }
0xa0: {  	_ =	swait.ge [sflag:s23], s21  }
0xa1: {  	s6 =	ssub.s32 $0x0, s21;
	[sflag:s23] =	ssyncset.done $0x0  }
0xa2: {  	[sflag:s23] =	ssyncadd.s32 s6;
	_ =	sdelay $0x1  }
0xa3: {  	s24 =	simm.s32 $0x1B8B  }
0xa4: {  	_ =	swait.ge [sflag:s24], $0x1  }
0xa5: {  	[sflag:s24] =	ssyncset.done $0x0  }
0xa6: {  	s25 =	simm.s32 $0x1B8E;
	[sflag:s24] =	ssyncadd.s32 $0xFFFFFFFF  }
0xa7: {  	s26 =	simm.s32 $execute0_lowered;
	[smem:$0x3FD2] =	sst s25  }
0xa8: {  	s6 =	sshll.u32 s26, $0x1;
	_ =	strace $0x80000046;
	[dreg:$0x1] =	wrdreg $0xFFFFFFFF  }
0xa9: {  	s28 =	simm.s32 $_size_execute0_lowered;
	s5 =	sadd.s32 s5, s6;
	[dreg:$0x0] =	wrdreg $0x0  }
0xaa: {  	s6 =	sshll.u32 s28, $0x1;
	[dreg:$0x2] =	wrdreg s5  }
0xab: {  	[dreg:$0x3] =	wrdreg s6  }
0xac: {  	[dreg:$0x4] =	wrdreg $0xC0  }
0xad: {  	_ =	task [dreg:s9], $0x5FFFF  }
0xae: {  	[dreg:$0x1] =	wrdreg $0xFFFFFFFF  }
0xaf: {  	[dreg:$0x0] =	wrdreg $0x60  }
0xb0: {  	[dreg:$0x2] =	wrdreg s2  }
0xb1: {  	[dreg:$0x3] =	wrdreg s19  }
0xb2: {  	[dreg:$0x4] =	wrdreg s4  }
0xb3: {  	[dreg:$0x5] =	wrdreg $0x9  }
0xb4: {  	_ =	task.clear_ibuf [dreg:s9], $0x6FFFF;
	_ =	strace $0x90000046  }
0xb5: {  	s29 =	simm.s32 $0x9;
	_ =	strace $0x80000048  }
0xb6: {  	_ =	swait.ge [sflag:s29], $0x1  }
0xb7: {  	[sflag:s29] =	ssyncadd.s32 $0xFFFFFFFF  }
0xb8: {  	_ =	strace $0x90000048  }
0xb9: {  	_ =	sfence  }
0xba: {  	s30 =	sld [smem:$0x0];
	_ =	sdelay $0x2  }
0xbb: {  	s31 =	sshll.u32 s1, $0xD;
	s1 =	sshrl.u32 s1, $0x2  }
0xbc: {  	s3 =	sand.u32 $0x4000, s31;
	s1 =	sadd.s32 s1, s30  }
0xbd: {  	s0 =	sor.u32 s3, s0;
	s1 =	sshll.u32 s1, $0x11  }
0xbe: {  	s0 =	sor.u32 s1, s0  }
0xbf: {  	s0 =	sadd.s32 $0x8F2B, s0  }
0xc0: {  	[sflag:s0] =	ssyncadd.remote.s32 $0x1  }
0xc1: {  	_ =	sfence.sel $0xFFFF  }
0xc2: {  	[dreg:$0x0] =	wrdreg $0xFFFFFFFF;
	(pc) =	sbr.abs _section_cstart, $3  }
0xc3: {  	[dreg:$0x1] =	wrdreg $0xFFFFFFFF  }
0xc4: {  	_ =	task.clear_ibuf [dreg:s9], $0x2FFFF;
	_ =	strace $0x9FFFFFFF  }
0xc5: {  	(tm) =	ssettm $0x7FFFFFFF  }
tec
execute0_lowered:
.L_overlay_start_1:
0x0: {  	(tag) =	ssettag $0x1  }
0x1: {  	s4 =	rddreg [dreg:$0x0]  }
0x2: {  	s6 =	rddreg [dreg:$0x1]  }
0x3: {  	s0 =	srdreg.scid;
	s2 =	stileid.u32  }
0x4: {  	s5 =	simm.s32 $0x0;
	s14 =	simm.s32 $0x4080;
	s15 =	simm.s32 $0x800  }
0x5: {  	s16 =	simm.s32 $0x1C00;
	s0 =	sand.u32 $0x1, s0;
	s2 =	sshll.u32 s2, $0x1  }
0x6: {  	s17 =	simm.s32 $0x2400;
	s1 =	ssub.s32 $0x2, s0;
	s0 =	sor.u32 s0, s2  }
0x7: {  	[smem:$0x7FF] =	sst s5;
	s2 =	sshll.u32 s0, $0xF;
	s0 =	sshll.u32 s0, $0xB  }
0x8: {  	_ =	strace $0x80000047;
	s26 =	sadd.s32 s4, s2;
	[dreg:$0x6] =	wrdreg s0  }
0x9: {  	s19 =	simm.s32 $0x3800;
	s28 =	sadd.s32 s6, s2;
	[dreg:$0x4] =	wrdreg s26  }
0xa: {  	v4 =	vlaneseq.u32;
	s2 =	sor.u32 $0x100, s2;
	s30 =	sor.u32 $0x20, s0;
	[dreg:$0x5] =	wrdreg s28  }
.Ltmp0:
0xb: {  	v0 =	vmul.u32 $0x42, v4;
	s0 =	sor.u32 $0x30, s0;
	[dreg:$0x9] =	wrdreg s30;
	(pc) =	sbr.rel .LBB2_1-.Ltmp0, $4  }
0xc: {  	s3 =	sshrl.u32 s1, $0x1;
	s29 =	sadd.s32 s4, s2;
	[dreg:$0xa] =	wrdreg s0  }
0xd: {  	[tilespmem:$0x1FFE0] =	vst v0;
	v0 =	vmul.u32 $0xC0, v4;
	s1 =	ssub.s32 s1, s3;
	s2 =	sadd.s32 s6, s2;
	[dreg:$0x7] =	wrdreg s29  }
0xe: {  	s20 =	simm.s32 $0x1000;
	s31 =	smax.u32 s1, $0x1;
	[dreg:$0x8] =	wrdreg s2  }
0xf: {  	v63 =	vimm.s32 $0x0;
	s22 =	simm.s32 $0x2C00;
	v2 =	vmul.u32 $0x81, v4;
	v3 =	vmul.u32 $0x80, v4;
	[tilespmem:$0x1FFF0] =	vst v0;
	[dreg:$0xb] =	wrdreg s31;
	s2 =	simm.s32 $0x0  }
.LBB2_18:
0x10: {  	s0 =	simm.s32 $0x3  }
0x11: {  	_ =	swait.ge [sflag:s0], $0xC00  }
0x12: {  	[sflag:s0] =	ssyncset.done $0x0  }
0x13: {  	s1 =	simm.s32 $0x4;
	[sflag:s0] =	ssyncadd.s32 $0xFFFFF400  }
0x14: {  	_ =	swait.ge [sflag:s1], $0xC00  }
0x15: {  	s2 =	rddreg [dreg:$0xc]  }
0x16: {  	s31 =	rddreg [dreg:$0xb];
	s2 =	sadd.s32 $0x1, s2  }
0x17: {  	p0 =	sne.s32 s2, s31  }
.Ltmp1:
0x18: {  	_ = 	snop;
	(pc) =	sbr.rel @!p0 .LBB2_19-.Ltmp1, $3  }
0x19: {  	_ =	sdelay $0x1  }
0x1a: {  	[sflag:s1] =	ssyncset.done $0x0  }
0x1b: {  	[sflag:s1] =	ssyncadd.s32 $0xFFFFF400  }
.LBB2_1:
0x1c: {  	v0 =	vld [tilespmem:$0x1FFE0];
	_ =	sdelay $0x4  }
0x1d: {  	[dreg:$0xc] =	wrdreg s2;
	s0 =	simm.s32 $0x1;
	v6 =	vadd.s32 s5, v0  }
.LBB2_2:
0x1e: {  	p0 =	sne.s32 s0, $0x3F;
	v0 =	vld [tilespmem:$0x1FFE0]  }
.Ltmp2:
0x1f: {  	_ = 	snop;
	(pc) =	sbr.rel @p0 .LBB2_2-.Ltmp2, $3  }
0x20: {  	_ =	sdelay $0x1  }
0x21: {  	s1 =	smov.u32 s0  }
0x22: {  	[tilespmem:v6+s14+$0x0] =	vst.idx.msk $0xffff, v63;
	s0 =	sadd.s32 $0x1, s0;
	v6 =	vadd.s32 s1, v0  }
0x23: {  	_ =	sdelay $0x3  }
0x24: {  	[tilespmem:v6+s14+$0x0] =	vst.idx.msk $0xffff, v63  }
0x25: {  	s1 =	simm.s32 $0x0;
	s0 =	rddreg [dreg:$0x4]  }
0x26: {  	[tilespmem:s1], [sflag:$0x1] =	stream.linear.gather [hbm4b:s0+s1], $0x800, $0x38;
	[tilespmem:$0x4500] =	vst v63  }
0x27: {  	s29 =	rddreg [dreg:$0x5]  }
0x28: {  	[tilespmem:s15], [sflag:$0x1] =	stream.linear.gather [hbm4b:s29+s1], $0x800, $0x38;
	[tilespmem:$0x4500] =	vst v63  }
0x29: {  	s30 =	rddreg [dreg:$0x7]  }
0x2a: {  	[tilespmem:s16], [sflag:$0x2] =	stream.linear.gather [hbm4b:s30+s1], $0x800, $0x38;
	[tilespmem:$0x4500] =	vst v63  }
0x2b: {  	s2 =	simm.s32 $0x0;
	s31 =	rddreg [dreg:$0x8]  }
0x2c: {  	[tilespmem:s17], [sflag:$0x2] =	stream.linear.gather [hbm4b:s31+s1], $0x800, $0x38;
	[tilespmem:$0x4500] =	vst v63  }
.LBB2_4:
0x2d: {  	s1 =	simm.s32 $0x1  }
0x2e: {  	s0 =	simm.s32 $0x0;
	_ =	swait.ge [sflag:s1], $0x800  }
0x2f: {  	v6 =	vmov s0;
	[sflag:s1] =	ssyncset.done $0x0  }
0x30: {  	s23 =	simm.s32 $0x1;
	v6 =	vand.u32 $0x78, v6;
	[sflag:s1] =	ssyncadd.s32 $0xFFFFF800  }
0x31: {  	v7 =	vmov s23;
	v6 =	vbroadcast v6, $0x0;
	_ =	swait.ge [sflag:s1], $0x800  }
0x32: {  	p0 =	seq.s32 s2, $0x0;
	s24 =	simm.s32 $0x2;
	v7 =	vand.u32 $0x79, v7;
	[sflag:s1] =	ssyncset.done $0x0  }
0x33: {  	s25 =	simm.s32 $0x3;
	v8 =	vmov s24;
	v7 =	vbroadcast v7, $0x0;
	v6 =	vor.u32 v3, v6;
	[sflag:s1] =	ssyncadd.s32 $0xFFFFF800;
	s1 =	simm.s32 @!p0 $0x3  }
0x34: {  	v9 =	vmov s25;
	v8 =	vand.u32 $0x7A, v8;
	_ =	swait.ge @!p0 [sflag:s1], $0xC00  }
0x35: {  	s26 =	simm.s32 $0x4;
	v9 =	vand.u32 $0x7B, v9;
	v8 =	vbroadcast v8, $0x0;
	v7 =	vor.u32 v3, v7;
	[sflag:s1] =	ssyncset.done @!p0 $0x0  }
0x36: {  	v12 =	vimm.f32 $0.0e+00;
	s29 =	simm.s32 $0x6;
	v10 =	vmov s26;
	v9 =	vbroadcast v9, $0x0;
	[sflag:s1] =	ssyncadd.s32 @!p0 $0xFFFFF400  }
0x37: {  	s28 =	simm.s32 $0x5;
	v11 =	vmov s29;
	v10 =	vand.u32 $0x7C, v10;
	v8 =	vor.u32 v3, v8;
	[tilespmem:v2+s19+$0x0] =	vst.idx.msk $0xffff, v12  }
0x38: {  	v14 =	vbroadcast v10, $0x0;
	v13 =	vor.u32 v3, v9;
	v9 =	vmov s28;
	v6 =	vld.idx.msk [tilespmem:v6+s5+$0x0], $0xffff  }
0x39: {  	v11 =	vand.u32 $0x7E, v11;
	v9 =	vand.u32 $0x7D, v9  }
0x3a: {  	v15 =	vbroadcast v11, $0x0;
	v11 =	vor.u32 v3, v14;
	v9 =	vbroadcast v9, $0x0;
	s31 =	rddreg [dreg:$0x6];
	v10 =	vld.idx.msk [tilespmem:v7+s5+$0x0], $0xffff  }
0x3b: {  	s30 =	sshll.u32 s2, $0x5;
	[dreg:$0xd] =	wrdreg s2  }
0x3c: {  	v9 =	vor.u32 v3, v9;
	s0 =	sadd.s32 s31, s30;
	v7 =	vld.idx.msk [tilespmem:v8+s5+$0x0], $0xffff;
	[dreg:$0xe] =	wrdreg s30  }
0x3d: {  	s1 =	simm.s32 $0x8;
	[dreg:$0xf] =	wrdreg s0;
	v12 =	vadd.f32 v6, v12  }
0x3e: {  	s2 =	simm.s32 $0x0;
	s0 =	simm.s32 $0x10;
	v8 =	vor.u32 v3, v15;
	v6 =	vld.idx.msk [tilespmem:v13+s5+$0x0], $0xffff;
	v13 =	vmov s1  }
.LBB2_5:
0x3f: {  	p1 =	slt.u32 s0, $0x78;
	v13 =	vand.u32 $0x78, v13;
	s3 =	sadd.s32 $0x1, s1;
	v10 =	vadd.f32 v10, v12;
	v11 =	vld.idx.msk [tilespmem:v11+s5+$0x0], $0xffff;
	s2 =	sadd.s32 $0x7, s2  }
0x40: {  	v12 =	vbroadcast v13, $0x0;
	v13 =	vmov s3;
	v14 =	vor.u32 s2, v3;
	s2 =	smov.u32 s1;
	s1 =	smov.u32 s0  }
0x41: {  	v13 =	vand.u32 $0x79, v13;
	s3 =	sadd.s32 $0x2, s2;
	v7 =	vadd.f32 v7, v10;
	v9 =	vld.idx.msk [tilespmem:v9+s5+$0x0], $0xffff  }
0x42: {  	v10 =	vor.u32 v3, v12;
	v12 =	vbroadcast v13, $0x0;
	v13 =	vmov s3  }
0x43: {  	s3 =	sadd.s32 $0x3, s2;
	v13 =	vand.u32 $0x7A, v13;
	v6 =	vadd.f32 v6, v7;
	v7 =	vld.idx.msk [tilespmem:v8+s5+$0x0], $0xffff  }
0x44: {  	v8 =	vor.u32 v3, v12;
	v12 =	vbroadcast v13, $0x0;
	v13 =	vmov s3  }
0x45: {  	s3 =	sadd.s32 $0x4, s2;
	v13 =	vand.u32 $0x7B, v13;
	v6 =	vadd.f32 v11, v6;
	v14 =	vld.idx.msk [tilespmem:v14+s5+$0x0], $0xffff  }
0x46: {  	v12 =	vor.u32 v3, v12;
	v11 =	vbroadcast v13, $0x0;
	v13 =	vmov s3  }
0x47: {  	s3 =	sadd.s32 $0x5, s2;
	v15 =	vld.idx.msk [tilespmem:v10+s5+$0x0], $0xffff;
	v10 =	vand.u32 $0x7C, v13;
	v6 =	vadd.f32 v9, v6  }
0x48: {  	v13 =	vor.u32 v3, v11;
	v9 =	vbroadcast v10, $0x0;
	v11 =	vmov s3  }
0x49: {  	s3 =	sadd.s32 $0x6, s2;
	v10 =	vld.idx.msk [tilespmem:v8+s5+$0x0], $0xffff;
	v8 =	vand.u32 $0x7D, v11;
	v6 =	vadd.f32 v7, v6  }
.Ltmp3:
0x4a: {  	v11 =	vor.u32 v3, v9;
	v8 =	vbroadcast v8, $0x0;
	v9 =	vmov s3;
	(pc) =	sbr.rel @p1 .LBB2_5-.Ltmp3, $4  }
0x4b: {  	v7 =	vld.idx.msk [tilespmem:v12+s5+$0x0], $0xffff;
	v12 =	vand.u32 $0x7E, v9;
	v6 =	vadd.f32 v14, v6  }
0x4c: {  	v9 =	vor.u32 v3, v8;
	v8 =	vbroadcast v12, $0x0  }
0x4d: {  	v12 =	vadd.f32 v15, v6;
	v6 =	vld.idx.msk [tilespmem:v13+s5+$0x0], $0xffff  }
0x4e: {  	s0 =	sadd.s32 $0x8, s0;
	v13 =	vmov s1;
	v8 =	vor.u32 v3, v8  }
0x4f: {  	_ =	sdelay $0x2  }
0x50: {  	v13 =	vand.u32 $0x78, v13;
	v10 =	vadd.f32 v10, v12  }
0x51: {  	s0 =	sadd.s32 $0x1, s1;
	v11 =	vld.idx.msk [tilespmem:v11+s5+$0x0], $0xffff;
	s2 =	sadd.s32 $0x7, s2;
	v12 =	vbroadcast v13, $0x0  }
0x52: {  	s10 =	sadd.s32 $0x2, s1;
	v13 =	vmov s0;
	v14 =	vor.u32 s2, v3;
	v7 =	vadd.f32 v7, v10  }
0x53: {  	v9 =	vld.idx.msk [tilespmem:v9+s5+$0x0], $0xffff;
	v10 =	vand.u32 $0x79, v13;
	v13 =	vmov s10;
	v12 =	vor.u32 v3, v12  }
0x54: {  	v10 =	vbroadcast v10, $0x0;
	v13 =	vand.u32 $0x7A, v13;
	v6 =	vadd.f32 v6, v7  }
0x55: {  	s11 =	sadd.s32 $0x3, s1;
	v7 =	vld.idx.msk [tilespmem:v8+s5+$0x0], $0xffff;
	v8 =	vbroadcast v13, $0x0  }
0x56: {  	s12 =	sadd.s32 $0x4, s1;
	v13 =	vmov s11;
	v10 =	vor.u32 v3, v10;
	v6 =	vadd.f32 v11, v6  }
0x57: {  	v11 =	vand.u32 $0x7B, v13;
	v13 =	vld.idx.msk [tilespmem:v14+s5+$0x0], $0xffff;
	v8 =	vor.u32 v3, v8;
	v14 =	vmov s12  }
0x58: {  	v11 =	vbroadcast v11, $0x0;
	v14 =	vand.u32 $0x7C, v14;
	v6 =	vadd.f32 v9, v6  }
0x59: {  	s13 =	sadd.s32 $0x5, s1;
	v9 =	vld.idx.msk [tilespmem:v12+s5+$0x0], $0xffff;
	v12 =	vbroadcast v14, $0x0  }
0x5a: {  	v14 =	vmov s13;
	v11 =	vor.u32 v3, v11;
	v6 =	vadd.f32 v7, v6  }
0x5b: {  	s18 =	sadd.s32 $0x6, s1;
	v7 =	vld.idx.msk [tilespmem:v10+s5+$0x0], $0xffff;
	v10 =	vand.u32 $0x7D, v14;
	v12 =	vor.u32 v3, v12  }
0x5c: {  	v14 =	vmov s18;
	v10 =	vbroadcast v10, $0x0;
	v6 =	vadd.f32 v13, v6  }
0x5d: {  	v8 =	vld.idx.msk [tilespmem:v8+s5+$0x0], $0xffff;
	v13 =	vand.u32 $0x7E, v14  }
0x5e: {  	s23 =	simm.s32 $0x0;
	v10 =	vor.u32 v3, v10;
	v13 =	vbroadcast v13, $0x0;
	v6 =	vadd.f32 v9, v6  }
0x5f: {  	v17 =	vor.u32 s23, v3;
	v9 =	vld.idx.msk [tilespmem:v11+s5+$0x0], $0xffff  }
0x60: {  	s0 =	simm.s32 $0x1;
	v14 =	vor.u32 v3, v13;
	v6 =	vadd.f32 v7, v6  }
0x61: {  	s21 =	sadd.s32 $0x7, s1;
	v11 =	vor.u32 s0, v3;
	v7 =	vld.idx.msk [tilespmem:v12+s5+$0x0], $0xffff  }
0x62: {  	s2 =	simm.s32 $0x2;
	v12 =	vor.u32 s21, v3;
	v6 =	vadd.f32 v8, v6  }
0x63: {  	v13 =	vor.u32 s2, v3;
	v8 =	vld.idx.msk [tilespmem:v10+s5+$0x0], $0xffff  }
0x64: {  	s6 =	simm.s32 $0x3;
	v6 =	vadd.f32 v9, v6;
	v9 =	vld.idx.msk [tilespmem:v17+s23+$0x0], $0xffff  }
0x65: {  	v10 =	vld.idx.msk [tilespmem:v14+s5+$0x0], $0xffff;
	v14 =	vor.u32 s6, v3  }
0x66: {  	s7 =	simm.s32 $0x4;
	v6 =	vadd.f32 v7, v6;
	v7 =	vld.idx.msk [tilespmem:v11+s23+$0x0], $0xffff  }
0x67: {  	v16 =	vor.u32 s7, v3;
	v12 =	vld.idx.msk [tilespmem:v12+s5+$0x0], $0xffff  }
0x68: {  	s9 =	simm.s32 $0x5;
	v15 =	vld.idx.msk [tilespmem:v13+s23+$0x0], $0xffff;
	v6 =	vadd.f32 v8, v6;
	v8 =	vimm.f32 $0.0e+00  }
0x69: {  	v22 =	vor.u32 s9, v3;
	v33 =	vadd.f32 v9, v8  }
0x6a: {  	s10 =	simm.s32 $0x6;
	v8 =	vld.idx.msk [tilespmem:v14+s23+$0x0], $0xffff;
	v6 =	vadd.f32 v10, v6  }
0x6b: {  	v25 =	vor.u32 s10, v3;
	v36 =	vadd.f32 v7, v33  }
0x6c: {  	s13 =	simm.s32 $0x7;
	v9 =	vld.idx.msk [tilespmem:v16+s23+$0x0], $0xffff;
	v6 =	vadd.f32 v12, v6  }
0x6d: {  	v30 =	vor.u32 s13, v3;
	v37 =	vadd.f32 v15, v36  }
0x6e: {  	s31 =	simm.s32 $0x8;
	v10 =	vld.idx.msk [tilespmem:v22+s23+$0x0], $0xffff;
	v7 =	vsub.f32 $9.999999740e-06, v6  }
0x6f: {  	v19 =	vor.u32 s31, v3;
	v38 =	vadd.f32 v8, v37  }
0x70: {  	s11 =	simm.s32 $0x9;
	v8 =	vld.idx.msk [tilespmem:v25+s23+$0x0], $0xffff;
	v7 =	vmax.f32 v7, $0.0e+00  }
0x71: {  	v21 =	vor.u32 s11, v3;
	v7 =	vmul.f32 $7.812500000e-03, v7;
	v39 =	vadd.f32 v9, v38  }
0x72: {  	s8 =	simm.s32 $0xA;
	v9 =	vld.idx.msk [tilespmem:v30+s23+$0x0], $0xffff  }
0x73: {  	v20 =	vor.u32 s8, v3;
	v12 =	vmul.f32 $1.280000000e+02, v7;
	v40 =	vadd.f32 v10, v39  }
0x74: {  	s3 =	simm.s32 $0xB;
	v10 =	vld.idx.msk [tilespmem:v19+s23+$0x0], $0xffff  }
0x75: {  	v18 =	vor.u32 s3, v3;
	v6 =	vadd.f32 v12, v6;
	v41 =	vadd.f32 v8, v40  }
0x76: {  	v8 =	vld.idx.msk [tilespmem:v21+s23+$0x0], $0xffff  }
0x77: {  	(erf) = vrcp.f32 v6;
	v42 =	vadd.f32 v9, v41  }
0x78: {  	v6 =	vld.idx.msk [tilespmem:v20+s23+$0x0], $0xffff  }
0x79: {  	v24 =	vadd.f32 v10, v42  }
0x7a: {  	s24 =	scvt.s32.f32 s3;
	v9 =	vld.idx.msk [tilespmem:v18+s23+$0x0], $0xffff  }
0x7b: {  	v5 =	vimm.s32 $0x0;
	v1 =	vimm.s32 $0x1;
	v23 =	vadd.f32 v8, v24  }
0x7c: {  	s4 =	simm.s32 $0xC;
	v47 =	vadd.s32 s23, v5;
	v51 =	vadd.s32 s6, v2;
	v8 =	vmul.f32 s24, v7  }
0x7d: {  	s25 =	scvt.s32.f32 s4;
	v52 =	vadd.s32 s7, v2;
	v54 =	vadd.s32 s9, v2;
	v6 =	vadd.f32 v6, v23  }
0x7e: {  	v56 =	vadd.s32 s3, v2;
	v27 =	vor.u32 s4, v3;
	v60 =	vadd.s32 s4, v2;
	s12 =	scvt.s32.f32 s0  }
0x7f: {  	v4 =	vld [tilespmem:$0x1FFF0];
	s21 =	scvt.s32.f32 s2;
	v12 =	vmul.f32 s25, v7;
	v10 =	vadd.f32 v6, v8;
	v43 =	vadd.f32 v9, v6  }
0x80: {  	s26 =	scvt.s32.f32 s8;
	v62 =	vadd.s32 s31, v2;
	v46 =	vadd.s32 s0, v2;
	s18 =	scvt.s32.f32 s31;
	v15 =	vmul.f32 s12, v7;
	v8 =	vpop (erf)  }
0x81: {  	s30 =	simm.s32 $0xF;
	v44 =	vmul.f32 s21, v7;
	v35 =	vmul.f32 v10, v8;
	v9 =	vadd.f32 v43, v12  }
0x82: {  	s1 =	scvt.s32.f32 s9;
	v50 =	vadd.s32 s2, v2;
	v45 =	vmul.f32 s18, v7;
	v31 =	vmul.f32 s26, v7;
	s26 =	scvt.s32.f32 s30  }
0x83: {  	v57 =	vadd.s32 s10, v2;
	v10 =	vmul.f32 $6.400000000e+01, v35;
	v28 =	vmul.f32 v9, v8  }
0x84: {  	v47 =	vadd.s32 v4, v47;
	v55 =	vmul.f32 s1, v7;
	s25 =	scvt.s32.f32 s6;
	v29 =	vmul.f32 s26, v7  }
0x85: {  	s26 =	scvt.s32.f32 s7;
	v58 =	vadd.f32 v33, v15;
	[dreg:$0x11] =	wrdreg s21;
	s21 =	simm.s32 $0xD;
	v9 =	vadd.f32 $5.000000000e-01, v10;
	v10 =	vmul.f32 $6.400000000e+01, v28  }
0x86: {  	v36 =	vadd.f32 v36, v44;
	v39 =	vadd.f32 v39, v55;
	v48 =	vmul.f32 s25, v7;
	s29 =	scvt.s32.f32 s21  }
0x87: {  	s18 =	simm.s32 $0x10;
	v53 =	vmul.f32 s26, v7;
	s24 =	scvt.s32.f32 s11;
	v9 =	vtrunc.f32 v9;
	v10 =	vadd.f32 $5.000000000e-01, v10  }
0x88: {  	s28 =	simm.s32 $0xE;
	v33 =	vor.u32 s21, v3;
	v34 =	vmul.f32 s29, v7;
	s29 =	scvt.s32.f32 s18;
	v9 =	vcvt.f32.s32 v9  }
0x89: {  	v37 =	vadd.f32 v37, v48;
	v32 =	vmul.f32 s24, v7;
	s24 =	scvt.s32.f32 s28;
	v10 =	vtrunc.f32 v10  }
0x8a: {  	v26 =	vmul.f32 s29, v7;
	v12 =	vadd.s32 s3, v9;
	s3 =	scvt.s32.f32 s10;
	v10 =	vcvt.f32.s32 v10  }
0x8b: {  	v38 =	vadd.f32 v38, v53;
	v49 =	vmul.f32 s24, v7;
	v58 =	vmul.f32 v58, v8  }
0x8c: {  	v36 =	vmul.f32 v36, v8;
	v59 =	vmul.f32 s3, v7;
	v15 =	vadd.s32 s4, v10;
	s4 =	scvt.s32.f32 s13  }
0x8d: {  	v42 =	vadd.f32 v42, v45;
	v37 =	vmul.f32 v37, v8;
	v38 =	vmul.f32 v38, v8  }
0x8e: {  	v39 =	vmul.f32 v39, v8;
	v61 =	vmul.f32 s4, v7;
	v40 =	vadd.f32 v40, v59  }
0x8f: {  	v44 =	vadd.s32 s13, v2;
	[dreg:$0x13] =	wrdreg s25;
	v42 =	vmul.f32 v42, v8;
	v48 =	vmul.f32 $6.400000000e+01, v58  }
0x90: {  	v6 =	vmul.f32 $6.400000000e+01, v38;
	v59 =	vld.idx.msk [tilespmem:v27+s23+$0x0], $0xffff;
	v41 =	vadd.f32 v41, v61;
	v40 =	vmul.f32 v40, v8  }
0x91: {  	v23 =	vadd.f32 v23, v31;
	v63 =	vmul.f32 $6.400000000e+01, v36;
	[tilespmem:v46+s19+$0x0] =	vst.idx.msk $0xffff, v58;
	v58 =	vmul.f32 $6.400000000e+01, v42  }
0x92: {  	[tilespmem:v50+s19+$0x0] =	vst.idx.msk $0xffff, v36;
	v6 =	vadd.f32 $5.000000000e-01, v6;
	v41 =	vmul.f32 v41, v8;
	v61 =	vmul.f32 $6.400000000e+01, v40  }
0x93: {  	v55 =	vld.idx.msk [tilespmem:v33+s23+$0x0], $0xffff;
	[tilespmem:v51+s19+$0x0] =	vst.idx.msk $0xffff, v37;
	v48 =	vadd.f32 $5.000000000e-01, v48;
	v53 =	vadd.f32 $5.000000000e-01, v63;
	v63 =	vmul.f32 $6.400000000e+01, v39  }
0x94: {  	[tilespmem:v62+s19+$0x0] =	vst.idx.msk $0xffff, v42;
	v6 =	vtrunc.f32 v6;
	v45 =	vmul.f32 $6.400000000e+01, v41;
	v61 =	vadd.f32 $5.000000000e-01, v61  }
0x95: {  	[tilespmem:v52+s19+$0x0] =	vst.idx.msk $0xffff, v38;
	v63 =	vadd.f32 $5.000000000e-01, v63;
	v6 =	vcvt.f32.s32 v6;
	v43 =	vadd.f32 v59, v43  }
0x96: {  	[tilespmem:v54+s19+$0x0] =	vst.idx.msk $0xffff, v39;
	v59 =	vmul.f32 $6.400000000e+01, v37;
	v45 =	vadd.f32 $5.000000000e-01, v45;
	v61 =	vtrunc.f32 v61  }
0x97: {  	v17 =	vld.idx.msk [tilespmem:v17+s15+$0x0], $0xffff;
	v46 =	vadd.f32 $5.000000000e-01, v58;
	[tilespmem:v57+s19+$0x0] =	vst.idx.msk $0xffff, v40;
	v50 =	vcvt.f32.s32 v61;
	v61 =	vtrunc.f32 v63  }
0x98: {  	v30 =	vld.idx.msk [tilespmem:v30+s15+$0x0], $0xffff;
	[tilespmem:v44+s19+$0x0] =	vst.idx.msk $0xffff, v41;
	v55 =	vadd.f32 v55, v43;
	v45 =	vtrunc.f32 v45;
	v37 =	vcvt.f32.s32 v61  }
0x99: {  	v40 =	vor.u32 s30, v3;
	v44 =	vadd.s32 s28, v2;
	v0 =	vld [tilespmem:$0x1FFE0];
	v45 =	vcvt.f32.s32 v45  }
0x9a: {  	v49 =	vadd.f32 v55, v49;
	v63 =	vtrunc.f32 v46;
	v61 =	vld.idx.msk [tilespmem:v25+s15+$0x0], $0xffff;
	v25 =	vadd.s32 s9, v37  }
0x9b: {  	v22 =	vld.idx.msk [tilespmem:v22+s15+$0x0], $0xffff;
	v41 =	vcvt.f32.s32 v63;
	v62 =	vadd.s32 s13, v45;
	v63 =	vadd.s32 v4, v25  }
0x9c: {  	v54 =	vld.idx.msk [tilespmem:v13+s15+$0x0], $0xffff;
	v36 =	vadd.f32 $5.000000000e-01, v59;
	v13 =	vadd.f32 v43, v34;
	v58 =	vadd.s32 v4, v62  }
0x9d: {  	v46 =	vor.u32 s28, v3;
	v49 =	vmul.f32 v49, v8;
	v42 =	vadd.s32 s10, v50  }
0x9e: {  	[tilespmem:v47+s20+$0x0] =	vst.idx.msk $0xffff, v17;
	v36 =	vtrunc.f32 v36;
	v42 =	vadd.s32 v4, v42;
	v62 =	vtrunc.f32 v53  }
0x9f: {  	v16 =	vld.idx.msk [tilespmem:v16+s15+$0x0], $0xffff;
	[tilespmem:v56+s19+$0x0] =	vst.idx.msk $0xffff, v35;
	v52 =	vadd.s32 v0, v41;
	v59 =	vmul.f32 $6.400000000e+01, v49;
	v38 =	vcvt.f32.s32 v62  }
0xa0: {  	v31 =	vld.idx.msk [tilespmem:v40+s23+$0x0], $0xffff;
	v62 =	vadd.s32 s11, v2;
	[tilespmem:v63+s20+$0x0] =	vst.idx.msk $0xffff, v22;
	v22 =	vtrunc.f32 v48;
	v48 =	vadd.s32 v0, v50  }
0xa1: {  	[tilespmem:v58+s20+$0x0] =	vst.idx.msk $0xffff, v30;
	v30 =	vadd.s32 v0, v45;
	v45 =	vcvt.f32.s32 v22;
	v22 =	vadd.f32 v24, v32  }
0xa2: {  	v56 =	vadd.s32 s21, v2;
	[tilespmem:v60+s19+$0x0] =	vst.idx.msk $0xffff, v28;
	v17 =	vcvt.f32.s32 v36;
	v25 =	vadd.f32 $5.000000000e-01, v59;
	v24 =	vld.idx.msk [tilespmem:v46+s23+$0x0], $0xffff  }
0xa3: {  	v39 =	vadd.s32 v0, v37;
	v59 =	vadd.s32 s7, v6;
	[tilespmem:v42+s20+$0x0] =	vst.idx.msk $0xffff, v61;
	v57 =	vmul.f32 v22, v8  }
0xa4: {  	v53 =	vadd.s32 s6, v17;
	v25 =	vtrunc.f32 v25;
	v63 =	vadd.s32 v4, v59;
	[tilespmem:v52+s14+$0x0] =	vst.idx.add.s32.msk $0xffff, v1  }
0xa5: {  	v17 =	vadd.s32 v0, v17;
	v61 =	vadd.s32 s2, v38;
	v25 =	vcvt.f32.s32 v25;
	v58 =	vld.idx.msk [tilespmem:v14+s15+$0x0], $0xffff;
	[tilespmem:v62+s19+$0x0] =	vst.idx.msk $0xffff, v57  }
0xa6: {  	v42 =	vadd.s32 v4, v53;
	v35 =	vadd.s32 v4, v61;
	v61 =	vadd.s32 s30, v2;
	[tilespmem:v48+s14+$0x0] =	vst.idx.add.s32.msk $0xffff, v1  }
0xa7: {  	v36 =	vadd.s32 s28, v25;
	[tilespmem:v30+s14+$0x0] =	vst.idx.add.s32.msk $0xffff, v1;
	v30 =	vadd.s32 s8, v2;
	v14 =	vadd.f32 v24, v55  }
0xa8: {  	v22 =	vadd.s32 v0, v6;
	v6 =	vmul.f32 v23, v8;
	v23 =	vld.idx.msk [tilespmem:v19+s15+$0x0], $0xffff;
	v19 =	vmul.f32 v13, v8  }
0xa9: {  	v59 =	vadd.s32 s0, v45;
	[tilespmem:v63+s20+$0x0] =	vst.idx.msk $0xffff, v16;
	v63 =	vadd.s32 s31, v41;
	v13 =	vld.idx.msk [tilespmem:v20+s15+$0x0], $0xffff;
	v28 =	vadd.f32 v14, v29  }
0xaa: {  	[tilespmem:v39+s14+$0x0] =	vst.idx.add.s32.msk $0xffff, v1;
	v24 =	vadd.f32 v31, v14;
	v14 =	vmul.f32 $6.400000000e+01, v57;
	v20 =	vmul.f32 $6.400000000e+01, v19  }
0xab: {  	v29 =	vadd.s32 s18, v2;
	[tilespmem:v56+s19+$0x0] =	vst.idx.msk $0xffff, v19;
	v19 =	vadd.s32 v0, v38;
	v28 =	vmul.f32 v28, v8  }
0xac: {  	v11 =	vld.idx.msk [tilespmem:v11+s15+$0x0], $0xffff;
	v26 =	vadd.f32 v24, v26;
	v20 =	vadd.f32 $5.000000000e-01, v20;
	[tilespmem:v30+s19+$0x0] =	vst.idx.msk $0xffff, v6;
	v6 =	vmul.f32 $6.400000000e+01, v6  }
0xad: {  	v16 =	vld.idx.msk [tilespmem:v27+s15+$0x0], $0xffff;
	v27 =	vadd.s32 v4, v63;
	v30 =	vadd.f32 $5.000000000e-01, v14;
	[tilespmem:v61+s19+$0x0] =	vst.idx.msk $0xffff, v28;
	v28 =	vmul.f32 $6.400000000e+01, v28  }
0xae: {  	[tilespmem:v44+s19+$0x0] =	vst.idx.msk $0xffff, v49;
	v14 =	vld.idx.msk [tilespmem:v18+s15+$0x0], $0xffff;
	v62 =	vmul.f32 v26, v8;
	v20 =	vtrunc.f32 v20;
	v6 =	vadd.f32 $5.000000000e-01, v6  }
0xaf: {  	v18 =	vld.idx.msk [tilespmem:v33+s15+$0x0], $0xffff;
	v30 =	vtrunc.f32 v30;
	v33 =	vcvt.f32.s32 v20;
	v28 =	vadd.f32 $5.000000000e-01, v28  }
0xb0: {  	v21 =	vld.idx.msk [tilespmem:v21+s15+$0x0], $0xffff;
	v26 =	vadd.s32 v4, v59;
	[tilespmem:v29+s19+$0x0] =	vst.idx.msk $0xffff, v62;
	v29 =	vmul.f32 $6.400000000e+01, v62;
	v6 =	vtrunc.f32 v6  }
0xb1: {  	[tilespmem:v35+s20+$0x0] =	vst.idx.msk $0xffff, v54;
	v31 =	vld.idx.msk [tilespmem:v46+s15+$0x0], $0xffff;
	v20 =	vadd.s32 v0, v45;
	v32 =	vcvt.f32.s32 v6;
	v6 =	vtrunc.f32 v28  }
0xb2: {  	[tilespmem:v42+s20+$0x0] =	vst.idx.msk $0xffff, v58;
	v30 =	vcvt.f32.s32 v30;
	v34 =	vld.idx.msk [tilespmem:v40+s15+$0x0], $0xffff;
	v37 =	vadd.f32 $5.000000000e-01, v29;
	v35 =	vcvt.f32.s32 v6  }
.LBB2_7:
0xb3: {  	[tilespmem:v22+s14+$0x0] =	vst.idx.add.s32.msk $0xffff, v1  }
0xb4: {  	v6 =	vor.u32 s18, v3;
	v4 =	vld [tilespmem:$0x1FFF0]  }
0xb5: {  	v38 =	vadd.s32 s21, v33;
	s28 =	sadd.s32 $0x1, s18;
	v59 =	vadd.s32 s8, v32;
	s8 =	sadd.s32 $0x2, s18;
	v0 =	vld [tilespmem:$0x1FFE0];
	v28 =	vtrunc.f32 v37  }
0xb6: {  	[tilespmem:v17+s14+$0x0] =	vst.idx.add.s32.msk $0xffff, v1;
	s24 =	scvt.s32.f32 s28;
	v39 =	vadd.s32 s28, v2;
	v40 =	vor.u32 s28, v3;
	v41 =	vadd.s32 s11, v30;
	s29 =	scvt.s32.f32 s8  }
0xb7: {  	[tilespmem:v26+s20+$0x0] =	vst.idx.msk $0xffff, v11;
	s21 =	sadd.s32 $0x5, s18;
	v43 =	vadd.s32 s8, v2;
	v44 =	vor.u32 s8, v3;
	v22 =	vcvt.f32.s32 v28  }
0xb8: {  	[tilespmem:v27+s20+$0x0] =	vst.idx.msk $0xffff, v23;
	v28 =	vadd.s32 s30, v35;
	s30 =	scvt.s32.f32 s21;
	v42 =	vmul.f32 s24, v7;
	v27 =	vmul.f32 s29, v7;
	s29 =	sadd.s32 $0x4, s18  }
0xb9: {  	[tilespmem:v19+s14+$0x0] =	vst.idx.add.s32.msk $0xffff, v1;
	v11 =	vmovc v21;
	v21 =	vadd.s32 s18, v22;
	v45 =	vadd.s32 s29, v2;
	v46 =	vor.u32 s29, v3  }
0xba: {  	s11 =	smov.u32 s28;
	s28 =	sadd.s32 $0x3, s18;
	v63 =	vmul.f32 s30, v7;
	v17 =	vadd.s32 v4, v28;
	v26 =	vadd.s32 v0, v22;
	v19 =	vld.idx.msk [tilespmem:v6+s23+$0x0], $0xffff  }
0xbb: {  	v28 =	vadd.s32 v0, v25;
	v23 =	vadd.s32 v4, v36;
	v36 =	vor.u32 s28, v3;
	[tilespmem:v20+s14+$0x0] =	vst.idx.add.s32.msk $0xffff, v1  }
0xbc: {  	s24 =	scvt.s32.f32 s28;
	v25 =	vadd.s32 v0, v35;
	v47 =	vadd.s32 v4, v12;
	v12 =	vor.u32 s21, v3;
	v20 =	vld.idx.msk [tilespmem:v40+s23+$0x0], $0xffff  }
0xbd: {  	v35 =	vadd.s32 s28, v2;
	v15 =	vadd.s32 v4, v15;
	v60 =	vadd.s32 v4, v38  }
0xbe: {  	s25 =	scvt.s32.f32 s29;
	s30 =	sadd.s32 $0x7, s18;
	v29 =	vadd.s32 v0, v33;
	v61 =	vmul.f32 s24, v7;
	v22 =	vadd.s32 v0, v10;
	v62 =	vld.idx.msk [tilespmem:v44+s23+$0x0], $0xffff  }
0xbf: {  	v10 =	vadd.s32 s21, v2;
	s24 =	sadd.s32 $0x6, s18;
	v57 =	vor.u32 s30, v3;
	v24 =	vadd.f32 v19, v24  }
0xc0: {  	v50 =	vor.u32 s24, v3;
	[tilespmem:v17+s20+$0x0] =	vst.idx.msk $0xffff, v34;
	v17 =	vadd.s32 v0, v9;
	v9 =	vmul.f32 s25, v7;
	v48 =	vld.idx.msk [tilespmem:v36+s23+$0x0], $0xffff  }
0xc1: {  	v19 =	vadd.s32 v0, v32;
	[tilespmem:v23+s20+$0x0] =	vst.idx.msk $0xffff, v31;
	v51 =	vld.idx.msk [tilespmem:v12+s23+$0x0], $0xffff;
	v20 =	vadd.f32 v20, v24  }
0xc2: {  	v32 =	vadd.s32 v4, v59;
	s25 =	scvt.s32.f32 s24;
	[tilespmem:v60+s20+$0x0] =	vst.idx.msk $0xffff, v18;
	v23 =	vadd.f32 v24, v42;
	v24 =	vld.idx.msk [tilespmem:v46+s23+$0x0], $0xffff  }
0xc3: {  	v49 =	vadd.s32 s24, v2;
	[tilespmem:v25+s14+$0x0] =	vst.idx.add.s32.msk $0xffff, v1;
	v25 =	vadd.f32 v20, v27;
	v34 =	vadd.f32 v62, v20  }
0xc4: {  	[tilespmem:v26+s14+$0x0] =	vst.idx.add.s32.msk $0xffff, v1;
	v31 =	vmul.f32 s25, v7;
	s25 =	scvt.s32.f32 s30;
	v23 =	vmul.f32 v23, v8;
	v27 =	vadd.s32 v4, v21  }
0xc5: {  	p1 =	slt.u32 s18, $0x78;
	s18 =	sadd.s32 $0x8, s18;
	v18 =	vmul.f32 v25, v8;
	v21 =	vadd.f32 v34, v61;
	v25 =	vadd.f32 v48, v34  }
0xc6: {  	v52 =	vmul.f32 s25, v7;
	v20 =	vadd.s32 v0, v30;
	v30 =	vld.idx.msk [tilespmem:v50+s23+$0x0], $0xffff;
	s25 =	scvt.s32.f32 s18;
	[tilespmem:v39+s19+$0x0] =	vst.idx.msk $0xffff, v23;
	v23 =	vmul.f32 $6.400000000e+01, v23  }
0xc7: {  	v59 =	vmul.f32 v21, v8;
	v9 =	vadd.f32 v25, v9;
	v24 =	vadd.f32 v24, v25  }
0xc8: {  	v60 =	vadd.f32 $5.000000000e-01, v23;
	v23 =	vld.idx.msk [tilespmem:v6+s15+$0x0], $0xffff;
	[tilespmem:v43+s19+$0x0] =	vst.idx.msk $0xffff, v18;
	v6 =	vmul.f32 $6.400000000e+01, v18;
	v18 =	vmul.f32 s25, v7  }
0xc9: {  	v25 =	vld.idx.msk [tilespmem:v57+s23+$0x0], $0xffff;
	v9 =	vmul.f32 v9, v8;
	v37 =	vadd.f32 v24, v63;
	v24 =	vadd.f32 v51, v24  }
0xca: {  	v38 =	vtrunc.f32 v60;
	v6 =	vadd.f32 $5.000000000e-01, v6;
	[tilespmem:v35+s19+$0x0] =	vst.idx.msk $0xffff, v59;
	v34 =	vmul.f32 $6.400000000e+01, v59  }
0xcb: {  	v37 =	vmul.f32 v37, v8;
	v31 =	vadd.f32 v24, v31;
	v24 =	vadd.f32 v30, v24  }
0xcc: {  	v6 =	vtrunc.f32 v6;
	v30 =	vadd.f32 $5.000000000e-01, v34;
	[tilespmem:v45+s19+$0x0] =	vst.idx.msk $0xffff, v9;
	v9 =	vmul.f32 $6.400000000e+01, v9  }
0xcd: {  	v56 =	vadd.s32 s30, v2;
	v35 =	vld.idx.msk [tilespmem:v44+s15+$0x0], $0xffff;
	[tilespmem:v32+s20+$0x0] =	vst.idx.msk $0xffff, v13;
	v32 =	vcvt.f32.s32 v6;
	v31 =	vmul.f32 v31, v8  }
0xce: {  	v62 =	vadd.f32 v24, v52;
	v24 =	vadd.f32 v25, v24;
	v25 =	vtrunc.f32 v30;
	[tilespmem:v10+s19+$0x0] =	vst.idx.msk $0xffff, v37  }
0xcf: {  	v61 =	vld.idx.msk [tilespmem:v36+s15+$0x0], $0xffff;
	v30 =	vadd.f32 $5.000000000e-01, v9;
	v10 =	vmul.f32 $6.400000000e+01, v37;
	v9 =	vcvt.f32.s32 v25;
	[tilespmem:v15+s20+$0x0] =	vst.idx.msk $0xffff, v16  }
0xd0: {  	v58 =	vadd.s32 s18, v2;
	[tilespmem:v49+s19+$0x0] =	vst.idx.msk $0xffff, v31;
	v31 =	vmul.f32 $6.400000000e+01, v31;
	v36 =	vmul.f32 v62, v8;
	v16 =	vld.idx.msk [tilespmem:v46+s15+$0x0], $0xffff  }
0xd1: {  	v63 =	vadd.f32 v24, v18;
	v25 =	vtrunc.f32 v30;
	v30 =	vadd.f32 $5.000000000e-01, v10;
	[tilespmem:v29+s14+$0x0] =	vst.idx.add.s32.msk $0xffff, v1  }
0xd2: {  	v10 =	vcvt.f32.s32 v25;
	v15 =	vadd.f32 $5.000000000e-01, v31;
	[tilespmem:v56+s19+$0x0] =	vst.idx.msk $0xffff, v36;
	v36 =	vmul.f32 $6.400000000e+01, v36  }
.Ltmp4:
0xd3: {  	v26 =	vadd.s32 v4, v41;
	v18 =	vld.idx.msk [tilespmem:v12+s15+$0x0], $0xffff;
	v37 =	vmul.f32 v63, v8;
	v25 =	vtrunc.f32 v30;
	(pc) =	sbr.rel @p1 .LBB2_7-.Ltmp4, $4  }
0xd4: {  	[tilespmem:v28+s14+$0x0] =	vst.idx.add.s32.msk $0xffff, v1;
	v33 =	vcvt.f32.s32 v25;
	v30 =	vtrunc.f32 v15;
	v36 =	vadd.f32 $5.000000000e-01, v36  }
0xd5: {  	v21 =	vld.idx.msk [tilespmem:v40+s15+$0x0], $0xffff;
	v12 =	vadd.s32 s28, v9;
	[tilespmem:v58+s19+$0x0] =	vst.idx.msk $0xffff, v37;
	v37 =	vmul.f32 $6.400000000e+01, v37;
	v25 =	vcvt.f32.s32 v30  }
0xd6: {  	[tilespmem:v47+s20+$0x0] =	vst.idx.msk $0xffff, v14;
	v31 =	vld.idx.msk [tilespmem:v50+s15+$0x0], $0xffff;
	v15 =	vadd.s32 s29, v10;
	v30 =	vcvt.f32.s32 v38;
	v6 =	vtrunc.f32 v36  }
0xd7: {  	v13 =	vmovc v35;
	v14 =	vmovc v61;
	v34 =	vld.idx.msk [tilespmem:v57+s15+$0x0], $0xffff;
	v37 =	vadd.f32 $5.000000000e-01, v37;
	v35 =	vcvt.f32.s32 v6;
	v36 =	vadd.s32 s24, v25  }
0xd8: {  	_ =	sdelay $0x3  }
0xd9: {  	[tilespmem:v22+s14+$0x0] =	vst.idx.add.s32.msk $0xffff, v1  }
0xda: {  	[tilespmem:v17+s14+$0x0] =	vst.idx.add.s32.msk $0xffff, v1  }
0xdb: {  	v4 =	vld [tilespmem:$0x1FFF0];
	_ =	sdelay $0x1  }
0xdc: {  	[tilespmem:v26+s20+$0x0] =	vst.idx.msk $0xffff, v11  }
0xdd: {  	v0 =	vld [tilespmem:$0x1FFE0]  }
0xde: {  	v7 =	vadd.s32 s30, v35  }
0xdf: {  	v6 =	vtrunc.f32 v37;
	v7 =	vadd.s32 v4, v7  }
0xe0: {  	v11 =	vadd.s32 s21, v33;
	v6 =	vcvt.f32.s32 v6;
	v8 =	vadd.s32 v4, v36  }
0xe1: {  	[tilespmem:v19+s14+$0x0] =	vst.idx.add.s32.msk $0xffff, v1;
	v11 =	vadd.s32 v4, v11  }
0xe2: {  	[tilespmem:v27+s20+$0x0] =	vst.idx.msk $0xffff, v23;
	v6 =	vadd.s32 v0, v6  }
0xe3: {  	[tilespmem:v20+s14+$0x0] =	vst.idx.add.s32.msk $0xffff, v1;
	v15 =	vadd.s32 v4, v15  }
0xe4: {  	v12 =	vadd.s32 v4, v12;
	[tilespmem:v7+s20+$0x0] =	vst.idx.msk $0xffff, v34  }
0xe5: {  	v17 =	vadd.s32 v0, v35;
	[tilespmem:v8+s20+$0x0] =	vst.idx.msk $0xffff, v31  }
0xe6: {  	v10 =	vadd.s32 v0, v10;
	v7 =	vadd.s32 s8, v32;
	[tilespmem:v11+s20+$0x0] =	vst.idx.msk $0xffff, v18  }
0xe7: {  	[tilespmem:v6+s14+$0x0] =	vst.idx.add.s32.msk $0xffff, v1;
	v6 =	vadd.s32 v4, v7  }
0xe8: {  	[tilespmem:v15+s20+$0x0] =	vst.idx.msk $0xffff, v16;
	v7 =	vadd.s32 v0, v25  }
0xe9: {  	v8 =	vadd.s32 v0, v33;
	[tilespmem:v12+s20+$0x0] =	vst.idx.msk $0xffff, v14  }
0xea: {  	v9 =	vadd.s32 v0, v9;
	v11 =	vadd.s32 s11, v30;
	[tilespmem:v17+s14+$0x0] =	vst.idx.add.s32.msk $0xffff, v1  }
0xeb: {  	v11 =	vadd.s32 v4, v11;
	[tilespmem:v10+s14+$0x0] =	vst.idx.add.s32.msk $0xffff, v1  }
0xec: {  	[tilespmem:v6+s20+$0x0] =	vst.idx.msk $0xffff, v13;
	v6 =	vadd.s32 v0, v32  }
0xed: {  	[tilespmem:v7+s14+$0x0] =	vst.idx.add.s32.msk $0xffff, v1;
	v7 =	vadd.s32 v0, v30  }
0xee: {  	[tilespmem:v8+s14+$0x0] =	vst.idx.add.s32.msk $0xffff, v1;
	v8 =	vadd.s32 s23, v0  }
0xef: {  	[tilespmem:v9+s14+$0x0] =	vst.idx.add.s32.msk $0xffff, v1;
	v9 =	vadd.s32 s0, v0  }
0xf0: {  	[tilespmem:v11+s20+$0x0] =	vst.idx.msk $0xffff, v21  }
0xf1: {  	v10 =	vadd.s32 s2, v0;
	[tilespmem:v6+s14+$0x0] =	vst.idx.add.s32.msk $0xffff, v1  }
0xf2: {  	[tilespmem:v7+s14+$0x0] =	vst.idx.add.s32.msk $0xffff, v1  }
0xf3: {  	v11 =	vadd.s32 s6, v0;
	v6 =	vld.idx.msk [tilespmem:v8+s14+$0x0], $0xffff  }
0xf4: {  	v13 =	vld.idx.msk [tilespmem:v9+s14+$0x0], $0xffff  }
0xf5: {  	v7 =	vadd.s32 s7, v0  }
0xf6: {  	v12 =	vadd.s32 s9, v0;
	v15 =	vld.idx.msk [tilespmem:v10+s14+$0x0], $0xffff  }
0xf7: {  	v14 =	vadd.s32 s10, v0  }
0xf8: {  	v16 =	vadd.s32 s13, v0;
	v17 =	vld.idx.msk [tilespmem:v11+s14+$0x0], $0xffff;
	v20 =	vadd.s32 v5, v6  }
0xf9: {  	v63 =	vimm.s32 $0x0;
	v13 =	vadd.s32 v20, v13;
	v22 =	vadd.s32 $0x1, v20  }
0xfa: {  	v18 =	vld.idx.msk [tilespmem:v7+s14+$0x0], $0xffff;
	v23 =	vadd.s32 v2, v20;
	v47 =	vadd.s32 v3, v20;
	v20 =	vadd.s32 s0, v20  }
0xfb: {  	v19 =	vld.idx.msk [tilespmem:v12+s14+$0x0], $0xffff;
	v15 =	vadd.s32 v13, v15;
	vm0 =	vlt.s32 v22, $0x7F;
	v24 =	vadd.s32 $0x1, v13  }
0xfc: {  	v6 =	vld.idx.msk [tilespmem:v14+s14+$0x0], $0xffff;
	v56 =	vadd.s32 v2, v13;
	v48 =	vadd.s32 v3, v13;
	v13 =	vadd.s32 s2, v13  }
0xfd: {  	v21 =	vld.idx.msk [tilespmem:v16+s14+$0x0], $0xffff;
	v0 =	vadd.s32 v4, v20;
	v17 =	vadd.s32 v15, v17;
	vm1 =	vlt.s32 v24, $0x7F  }
0xfe: {  	[tilespmem:v16+s14+$0x0] =	vst.idx.msk $0xffff, v63;
	v25 =	vadd.s32 $0x1, v15;
	v16 =	vnsel vm0, $0x7F, v22;
	v38 =	vadd.s32 v2, v15  }
0xff: {  	v18 =	vadd.s32 v17, v18;
	vm2 =	vlt.s32 v25, $0x7F;
	v26 =	vadd.s32 $0x1, v17  }
0x100: {  	v22 =	vnsel vm1, $0x7F, v24;
	v53 =	vadd.s32 v2, v16;
	v19 =	vadd.s32 v18, v19  }
0x101: {  	[tilespmem:v10+s14+$0x0] =	vst.idx.msk $0xffff, v63;
	v54 =	vadd.s32 v2, v17;
	v27 =	vadd.s32 v19, v6;
	v10 =	vadd.s32 $0x1, v19  }
0x102: {  	vm3 =	vlt.s32 v26, $0x7F;
	v6 =	vadd.s32 v27, v21;
	vm5 =	vlt.s32 v10, $0x7F  }
0x103: {  	[tilespmem:v11+s14+$0x0] =	vst.idx.msk $0xffff, v63;
	v11 =	vadd.s32 $0x1, v27;
	v29 =	vadd.s32 v2, v27;
	v21 =	vadd.s32 $0x1, v6  }
0x104: {  	[tilespmem:v7+s14+$0x0] =	vst.idx.msk $0xffff, v63;
	v7 =	vnsel vm5, $0x7F, v10;
	v30 =	vadd.s32 v2, v6;
	vm6 =	vlt.s32 v21, $0x7F  }
0x105: {  	[tilespmem:v8+s14+$0x0] =	vst.idx.msk $0xffff, v63;
	vm5 =	vlt.s32 v11, $0x7F;
	v24 =	vadd.s32 v2, v7;
	v10 =	vnsel vm6, $0x7F, v21  }
0x106: {  	[tilespmem:v12+s14+$0x0] =	vst.idx.msk $0xffff, v63;
	v8 =	vadd.s32 $0x1, v18;
	v23 =	vld.idx.msk [tilespmem:v23+s19+$0x0], $0xffff;
	v11 =	vnsel vm5, $0x7F, v11;
	v12 =	vadd.s32 v2, v10  }
0x107: {  	s12 =	sadd.f32 s12, s12;
	[tilespmem:v14+s14+$0x0] =	vst.idx.msk $0xffff, v63;
	v14 =	vnsel vm2, $0x7F, v25;
	vm4 =	vlt.s32 v8, $0x7F;
	v34 =	vld.idx.msk [tilespmem:v53+s19+$0x0], $0xffff;
	v25 =	vadd.s32 v2, v11  }
0x108: {  	s4 =	sadd.f32 s4, s4;
	s8 =	scvt.s32.f32 s23;
	v52 =	vadd.s32 v2, v19;
	v8 =	vnsel vm4, $0x7F, v8;
	v39 =	vadd.s32 v3, v10;
	v10 =	vld.idx.msk [tilespmem:v29+s19+$0x0], $0xffff  }
0x109: {  	s3 =	sadd.f32 s3, s3;
	v40 =	vadd.s32 v3, v8;
	v21 =	vnsel vm3, $0x7F, v26;
	v26 =	vadd.s32 v2, v8;
	v8 =	vld.idx.msk [tilespmem:v30+s19+$0x0], $0xffff  }
0x10a: {  	s11 =	sadd.f32 s8, s8;
	v49 =	vadd.s32 v3, v15;
	v55 =	vadd.s32 v2, v18;
	v41 =	vadd.s32 v3, v7;
	v7 =	vld.idx.msk [tilespmem:v24+s19+$0x0], $0xffff  }
0x10b: {  	s1 =	sadd.f32 s1, s1;
	v58 =	vadd.s32 s6, v15;
	v45 =	vadd.s32 v3, v16;
	v62 =	vadd.s32 v2, v14;
	v12 =	vld.idx.msk [tilespmem:v12+s19+$0x0], $0xffff  }
0x10c: {  	s11 =	sadd.f32 $1.000000000e+00, s11;
	v46 =	vadd.s32 v3, v17;
	v31 =	vadd.s32 v2, v22;
	v43 =	vadd.s32 v3, v22;
	v25 =	vld.idx.msk [tilespmem:v25+s19+$0x0], $0xffff  }
0x10d: {  	s18 =	sadd.f32 s26, s26;
	v22 =	vadd.s32 s13, v27;
	v28 =	vadd.s32 v2, v21;
	v24 =	vadd.s32 v3, v27;
	v27 =	vld.idx.msk [tilespmem:v52+s19+$0x0], $0xffff  }
0x10e: {  	s4 =	sadd.f32 $1.000000000e+00, s4;
	s11 =	smul.f32 $7.812500000e-03, s11;
	[tilespmem:v9+s14+$0x0] =	vst.idx.msk $0xffff, v63;
	v17 =	vadd.s32 s7, v17;
	v44 =	vadd.s32 v3, v14;
	v9 =	vadd.s32 s31, v6;
	v35 =	vld.idx.msk [tilespmem:v54+s19+$0x0], $0xffff  }
0x10f: {  	s3 =	sadd.f32 $1.000000000e+00, s3;
	v42 =	vadd.s32 v3, v6;
	v15 =	vadd.s32 v4, v9;
	v11 =	vadd.s32 v3, v11;
	v57 =	vld.idx.msk [tilespmem:v55+s19+$0x0], $0xffff  }
0x110: {  	s1 =	sadd.f32 $1.000000000e+00, s1;
	v21 =	vadd.s32 v3, v21;
	v50 =	vsub.f32 s11, v23;
	v16 =	vld.idx.msk [tilespmem:v62+s19+$0x0], $0xffff;
	v12 =	vsub.f32 v12, v8  }
0x111: {  	s23 =	sadd.f32 $1.000000000e+00, s18;
	v30 =	vadd.s32 v3, v19;
	v19 =	vadd.s32 s10, v19;
	v26 =	vld.idx.msk [tilespmem:v26+s19+$0x0], $0xffff;
	v25 =	vsub.f32 v25, v10  }
0x112: {  	s4 =	smul.f32 $7.812500000e-03, s4;
	s21 =	rddreg [dreg:$0x13];
	v52 =	vadd.s32 v4, v22;
	v14 =	vld.idx.msk [tilespmem:v28+s19+$0x0], $0xffff;
	v22 =	vsub.f32 v7, v27;
	(erf) = vrcp.f32 v12  }
0x113: {  	s1 =	smul.f32 $7.812500000e-03, s1;
	s24 =	rddreg [dreg:$0x11];
	v29 =	vld.idx.msk [tilespmem:v31+s19+$0x0], $0xffff;
	v53 =	vadd.s32 v4, v19;
	v61 =	vsub.f32 v34, v23;
	(erf) = vrcp.f32 v25  }
0x114: {  	s0 =	smul.f32 $7.812500000e-03, s23;
	s2 =	sadd.f32 s24, s24;
	v28 =	vadd.s32 v3, v18;
	vm5 =	vgt.f32 v12, $0.0e+00;
	v12 =	vld.idx.msk [tilespmem:v38+s19+$0x0], $0xffff;
	(erf) = vrcp.f32 v22  }
0x115: {  	s3 =	smul.f32 $7.812500000e-03, s3;
	v18 =	vadd.s32 s9, v18;
	v31 =	vsub.f32 s4, v8;
	s4 =	sadd.f32 s21, s21;
	v60 =	vsub.f32 s1, v27;
	v27 =	vld.idx.msk [tilespmem:v56+s19+$0x0], $0xffff  }
0x116: {  	s26 =	sadd.f32 $1.000000000e+00, s2;
	v19 =	vsub.f32 s0, v57;
	v62 =	vld.idx.msk [tilespmem:v11+s15+$0x0], $0xffff;
	v51 =	vadd.s32 v4, v18;
	v18 =	vsub.f32 v26, v57  }
0x117: {  	vm0 =	vgt.f32 v61, $0.0e+00;
	v59 =	vsub.f32 s3, v10;
	s25 =	sadd.f32 $1.000000000e+00, s4;
	v26 =	vld.idx.msk [tilespmem:v39+s15+$0x0], $0xffff;
	v11 =	vsub.f32 v14, v35  }
0x118: {  	s29 =	smul.f32 $7.812500000e-03, s26;
	v10 =	vadd.s32 v4, v17;
	vm7 =	vgt.f32 v22, $0.0e+00;
	v22 =	vld.idx.msk [tilespmem:v42+s15+$0x0], $0xffff;
	(erf) = vrcp.f32 v18  }
0x119: {  	s28 =	sadd.f32 $1.000000000e+00, s12;
	s3 =	smul.f32 $7.812500000e-03, s25;
	vm3 =	vgt.f32 v18, $0.0e+00;
	(erf) = vrcp.f32 v61;
	v16 =	vsub.f32 v16, v12  }
0x11a: {  	v54 =	vld.idx.msk [tilespmem:v41+s15+$0x0], $0xffff;
	v55 =	vsub.f32 s29, v12;
	v12 =	vsub.f32 v29, v27;
	(erf) = vrcp.f32 v11  }
0x11b: {  	s30 =	smul.f32 $7.812500000e-03, s28;
	v14 =	vld.idx.msk [tilespmem:v24+s15+$0x0], $0xffff;
	vm2 =	vgt.f32 v11, $0.0e+00;
	v35 =	vsub.f32 s3, v35;
	(erf) = vrcp.f32 v16;
	v11 =	vpop (erf)  }
0x11c: {  	vm1 =	vgt.f32 v16, $0.0e+00;
	v16 =	vld.idx.msk [tilespmem:v30+s15+$0x0], $0xffff;
	(erf) = vrcp.f32 v12;
	v17 =	vmul.f32 v11, v31;
	v18 =	vpop (erf)  }
0x11d: {  	vm6 =	vgt.f32 v25, $0.0e+00;
	v56 =	vsub.f32 s30, v27;
	v25 =	vld.idx.msk [tilespmem:v21+s15+$0x0], $0xffff;
	v20 =	vsub.f32 v26, v22;
	v21 =	vpop (erf)  }
0x11e: {  	v32 =	vld.idx.msk [tilespmem:v45+s15+$0x0], $0xffff;
	v18 =	vmul.f32 v18, v59;
	v17 =	vmax.f32 v17, $0.0e+00;
	v21 =	vmul.f32 v21, v60  }
0x11f: {  	v23 =	vld.idx.msk [tilespmem:v40+s15+$0x0], $0xffff;
	vm4 =	vgt.f32 v12, $0.0e+00;
	v12 =	vadd.s32 v4, v13;
	v17 =	vmin.f32 v17, $1.000000000e+00  }
0x120: {  	v27 =	vld.idx.msk [tilespmem:v44+s15+$0x0], $0xffff;
	v11 =	vadd.s32 v4, v58;
	v18 =	vmax.f32 v18, $0.0e+00;
	v24 =	vnsel vm5, $0x0, v17  }
0x121: {  	v29 =	vld.idx.msk [tilespmem:v43+s15+$0x0], $0xffff;
	v31 =	vsub.f32 v54, v16;
	v18 =	vmin.f32 v18, $1.000000000e+00;
	v24 =	vmul.f32 v24, v20;
	v20 =	vpop (erf)  }
0x122: {  	v17 =	vld.idx.msk [tilespmem:v28+s15+$0x0], $0xffff;
	v28 =	vsub.f32 v62, v14;
	v20 =	vmul.f32 v20, v19;
	v19 =	vmax.f32 v21, $0.0e+00;
	v21 =	vpop (erf)  }
0x123: {  	v30 =	vnsel vm6, $0x0, v18;
	v18 =	vld.idx.msk [tilespmem:v46+s15+$0x0], $0xffff;
	v21 =	vmul.f32 v21, v50;
	v26 =	vmin.f32 v19, $1.000000000e+00;
	v57 =	vpop (erf)  }
0x124: {  	v19 =	vld.idx.msk [tilespmem:v49+s15+$0x0], $0xffff;
	v58 =	vmul.f32 v57, v35;
	v59 =	vmax.f32 v20, $0.0e+00;
	v26 =	vnsel vm7, $0x0, v26;
	v60 =	vpop (erf)  }
0x125: {  	v20 =	vld.idx.msk [tilespmem:v48+s15+$0x0], $0xffff;
	v61 =	vmax.f32 v21, $0.0e+00;
	v35 =	vmul.f32 v60, v55;
	v34 =	vmin.f32 v59, $1.000000000e+00;
	v62 =	vpop (erf)  }
0x126: {  	v21 =	vld.idx.msk [tilespmem:v47+s15+$0x0], $0xffff;
	v33 =	vmin.f32 v61, $1.000000000e+00;
	v36 =	vmul.f32 v62, v56;
	v37 =	vmax.f32 v58, $0.0e+00  }
.LBB2_9:
0x127: {  	v1 =	vmov v0;
	v0 =	vld [tilespmem:$0x1FFE0];
	_ =	sdelay $0x3  }
0x128: {  	v35 =	vmax.f32 v35, $0.0e+00  }
0x129: {  	s0 =	sadd.s32 $0x1, s31;
	v37 =	vmin.f32 v37, $1.000000000e+00;
	v23 =	vsub.f32 v23, v17;
	v38 =	vadd.s32 s31, v0  }
0x12a: {  	s1 =	sadd.s32 $0x2, s31;
	v33 =	vnsel vm0, $0x0, v33;
	s3 =	scvt.s32.f32 s0;
	v36 =	vmax.f32 v36, $0.0e+00;
	v39 =	vadd.s32 s0, v0  }
0x12b: {  	s2 =	sadd.s32 $0x3, s31;
	v35 =	vmin.f32 v35, $1.000000000e+00;
	v37 =	vnsel vm2, $0x0, v37;
	v40 =	vadd.s32 s1, v0  }
0x12c: {  	v36 =	vmin.f32 v36, $1.000000000e+00;
	s7 =	sadd.f32 s3, s3;
	s3 =	sadd.s32 $0x4, s31;
	v42 =	vsub.f32 v27, v19;
	v41 =	vadd.s32 s2, v0  }
0x12d: {  	s6 =	sadd.s32 $0x5, s31;
	v43 =	vsub.f32 v25, v18;
	v32 =	vsub.f32 v32, v21;
	v44 =	vadd.s32 s3, v0  }
0x12e: {  	s23 =	sadd.s32 $0x6, s31;
	v45 =	vsub.f32 v29, v20;
	v27 =	vnsel vm3, $0x0, v34;
	v62 =	vadd.s32 s6, v0;
	v46 =	vld.idx.msk [tilespmem:v38+s14+$0x0], $0xffff  }
0x12f: {  	s10 =	sadd.s32 $0x7, s31;
	v29 =	vnsel vm1, $0x0, v35;
	v25 =	vmul.f32 v30, v28;
	v49 =	vadd.s32 s23, v0;
	v48 =	vld.idx.msk [tilespmem:v39+s14+$0x0], $0xffff  }
0x130: {  	v28 =	vmul.f32 v26, v31;
	v54 =	vadd.s32 s10, v0;
	v27 =	vmul.f32 v27, v23;
	v50 =	vld.idx.msk [tilespmem:v40+s14+$0x0], $0xffff  }
0x131: {  	v36 =	vnsel vm4, $0x0, v36;
	v29 =	vmul.f32 v29, v42;
	v30 =	vmul.f32 v37, v43;
	v47 =	vld.idx.msk [tilespmem:v41+s14+$0x0], $0xffff  }
0x132: {  	v22 =	vadd.f32 v24, v22;
	v31 =	vmul.f32 v33, v32;
	v32 =	vmul.f32 v36, v45;
	v26 =	vld.idx.msk [tilespmem:v44+s14+$0x0], $0xffff  }
0x133: {  	v14 =	vadd.f32 v25, v14;
	v16 =	vadd.f32 v28, v16;
	v55 =	vld.idx.msk [tilespmem:v62+s14+$0x0], $0xffff;
	v23 =	vadd.s32 v6, v46  }
0x134: {  	v17 =	vadd.f32 v27, v17;
	v19 =	vadd.f32 v29, v19;
	v6 =	vld.idx.msk [tilespmem:v49+s14+$0x0], $0xffff;
	v24 =	vadd.s32 v23, v48  }
0x135: {  	v18 =	vadd.f32 v30, v18;
	v21 =	vadd.f32 v31, v21;
	v58 =	vld.idx.msk [tilespmem:v54+s14+$0x0], $0xffff;
	v34 =	vadd.s32 v24, v50  }
0x136: {  	v20 =	vadd.f32 v32, v20;
	[tilespmem:v40+s14+$0x0] =	vst.idx.msk $0xffff, v63;
	v40 =	vadd.s32 v34, v47  }
0x137: {  	[tilespmem:v41+s14+$0x0] =	vst.idx.msk $0xffff, v63;
	v56 =	vadd.s32 $0x1, v23;
	v57 =	vadd.s32 v2, v23;
	v41 =	vadd.s32 v40, v26  }
0x138: {  	vm0 =	vlt.s32 v56, $0x7F;
	v59 =	vadd.s32 $0x1, v24;
	v37 =	vadd.s32 v41, v55  }
0x139: {  	vm1 =	vlt.s32 v59, $0x7F;
	v35 =	vadd.s32 $0x1, v34;
	v42 =	vadd.s32 v37, v6  }
0x13a: {  	[tilespmem:v38+s14+$0x0] =	vst.idx.msk $0xffff, v63;
	v33 =	vnsel vm0, $0x7F, v56;
	v26 =	vadd.s32 $0x1, v41;
	v6 =	vadd.s32 v42, v58  }
0x13b: {  	v5 =	vmovc v12;
	v12 =	vmovc v10;
	[tilespmem:v39+s14+$0x0] =	vst.idx.msk $0xffff, v63;
	v39 =	vnsel vm1, $0x7F, v59;
	vm4 =	vlt.s32 v26, $0x7F;
	v38 =	vadd.s32 $0x1, v6  }
0x13c: {  	v10 =	vmovc v51;
	[tilespmem:v54+s14+$0x0] =	vst.idx.msk $0xffff, v63;
	v51 =	vadd.s32 v2, v39;
	v26 =	vnsel vm4, $0x7F, v26;
	vm4 =	vlt.s32 v38, $0x7F  }
0x13d: {  	[tilespmem:v15+s20+$0x0] =	vst.idx.msk $0xffff, v22;
	v15 =	vadd.s32 $0x1, v40;
	v50 =	vadd.s32 v2, v6;
	v38 =	vnsel vm4, $0x7F, v38  }
0x13e: {  	[tilespmem:v62+s14+$0x0] =	vst.idx.msk $0xffff, v63;
	vm2 =	vlt.s32 v35, $0x7F;
	vm3 =	vlt.s32 v15, $0x7F;
	v62 =	vadd.s32 v2, v38  }
0x13f: {  	v4 =	vld [tilespmem:$0x1FFF0];
	v13 =	vmovc v53;
	v35 =	vnsel vm2, $0x7F, v35;
	v55 =	vadd.s32 v2, v40;
	v56 =	vadd.s32 v2, v41  }
0x140: {  	v0 =	vmovc v11;
	v11 =	vmovc v52;
	v22 =	vld.idx.msk [tilespmem:v57+s19+$0x0], $0xffff;
	v60 =	vadd.s32 $0x1, v37;
	v15 =	vnsel vm3, $0x7F, v15;
	v52 =	vadd.s32 v2, v35  }
0x141: {  	[tilespmem:v44+s14+$0x0] =	vst.idx.msk $0xffff, v63;
	v53 =	vadd.s32 v2, v37;
	vm5 =	vlt.s32 v60, $0x7F;
	v61 =	vadd.s32 $0x1, v42;
	v29 =	vld.idx.msk [tilespmem:v51+s19+$0x0], $0xffff  }
0x142: {  	v48 =	vadd.s32 v2, v15;
	v36 =	vnsel vm5, $0x7F, v60;
	v60 =	vadd.s32 v3, v15;
	v15 =	vld.idx.msk [tilespmem:v50+s19+$0x0], $0xffff  }
0x143: {  	[tilespmem:v49+s14+$0x0] =	vst.idx.msk $0xffff, v63;
	v9 =	vadd.s32 v3, v23;
	vm5 =	vlt.s32 v61, $0x7F;
	v44 =	vld.idx.msk [tilespmem:v62+s19+$0x0], $0xffff  }
0x144: {  	s4 =	scvt.s32.f32 s1;
	v7 =	vadd.s32 v3, v41;
	v49 =	vadd.s32 v2, v42;
	v43 =	vnsel vm5, $0x7F, v61;
	v32 =	vld.idx.msk [tilespmem:v56+s19+$0x0], $0xffff  }
0x145: {  	[tilespmem:$0x1FFD0] =	vst v9;
	v30 =	vadd.s32 s6, v41;
	v41 =	vadd.s32 s0, v23;
	v63 =	vadd.s32 v2, v43;
	v23 =	vld.idx.msk [tilespmem:v55+s19+$0x0], $0xffff  }
0x146: {  	s4 =	sadd.f32 s4, s4;
	v9 =	vadd.s32 v3, v24;
	v54 =	vadd.s32 v2, v33;
	v46 =	vadd.s32 v2, v36;
	v25 =	vld.idx.msk [tilespmem:v52+s19+$0x0], $0xffff  }
0x147: {  	s18 =	scvt.s32.f32 s10;
	v8 =	vadd.s32 v3, v33;
	v31 =	vadd.s32 s3, v40;
	v45 =	vadd.s32 v2, v26;
	v27 =	vld.idx.msk [tilespmem:v53+s19+$0x0], $0xffff  }
0x148: {  	s30 =	scvt.s32.f32 s31;
	s21 =	sadd.f32 $1.000000000e+00, s4;
	v57 =	vadd.s32 v2, v24;
	v28 =	vadd.s32 s23, v37;
	v48 =	vld.idx.msk [tilespmem:v48+s19+$0x0], $0xffff;
	v56 =	vsub.f32 v44, v15  }
0x149: {  	p1 =	slt.u32 s31, $0x38;
	s18 =	sadd.f32 s18, s18;
	s31 =	sadd.s32 $0x8, s31;
	v24 =	vadd.s32 s1, v24;
	v58 =	vadd.s32 v2, v34;
	v59 =	vadd.s32 v3, v26;
	v49 =	vld.idx.msk [tilespmem:v49+s19+$0x0], $0xffff  }
0x14a: {  	s25 =	smul.f32 $7.812500000e-03, s21;
	s21 =	sadd.f32 s30, s30;
	[tilespmem:$0x1FFC0] =	vst v9;
	v26 =	vadd.s32 v3, v40;
	v9 =	vadd.s32 s31, v6;
	v47 =	vld.idx.msk [tilespmem:v63+s19+$0x0], $0xffff;
	(erf) = vrcp.f32 v56  }
0x14b: {  	s18 =	sadd.f32 $1.000000000e+00, s18;
	v36 =	vadd.s32 v3, v36;
	v61 =	vadd.s32 v3, v42;
	v42 =	vadd.s32 s10, v42;
	v46 =	vld.idx.msk [tilespmem:v46+s19+$0x0], $0xffff  }
0x14c: {  	s21 =	sadd.f32 $1.000000000e+00, s21;
	v51 =	vadd.s32 v4, v30;
	v38 =	vadd.s32 v3, v38;
	[tilespmem:v12+s20+$0x0] =	vst.idx.msk $0xffff, v18;
	v45 =	vld.idx.msk [tilespmem:v45+s19+$0x0], $0xffff  }
0x14d: {  	s18 =	smul.f32 $7.812500000e-03, s18;
	v52 =	vadd.s32 v4, v42;
	[tilespmem:v11+s20+$0x0] =	vst.idx.msk $0xffff, v14;
	v14 =	vld.idx.msk [tilespmem:v54+s19+$0x0], $0xffff;
	v62 =	vadd.s32 v3, v6  }
0x14e: {  	s21 =	smul.f32 $7.812500000e-03, s21;
	v53 =	vadd.s32 v4, v28;
	v50 =	vadd.s32 v3, v34;
	[tilespmem:v13+s20+$0x0] =	vst.idx.msk $0xffff, v16;
	v16 =	vld.idx.msk [tilespmem:v58+s19+$0x0], $0xffff  }
0x14f: {  	v40 =	vsub.f32 s18, v15;
	v44 =	vsub.f32 v47, v49;
	v15 =	vadd.s32 v4, v9;
	v9 =	vld.idx.msk [tilespmem:v57+s19+$0x0], $0xffff  }
0x150: {  	v33 =	vsub.f32 s21, v22;
	[tilespmem:v10+s20+$0x0] =	vst.idx.msk $0xffff, v17;
	v10 =	vadd.s32 v4, v31;
	v46 =	vsub.f32 v46, v27  }
0x151: {  	v34 =	vadd.s32 s2, v34;
	[tilespmem:v0+s20+$0x0] =	vst.idx.msk $0xffff, v19;
	v28 =	vld.idx.msk [tilespmem:v38+s15+$0x0], $0xffff;
	v17 =	vsub.f32 v45, v32;
	(erf) = vrcp.f32 v44  }
0x152: {  	v0 =	vadd.s32 v4, v41;
	v18 =	vsub.f32 v14, v22;
	v22 =	vld.idx.msk [tilespmem:v62+s15+$0x0], $0xffff;
	(erf) = vrcp.f32 v46  }
0x153: {  	s8 =	scvt.s32.f32 s2;
	v11 =	vsub.f32 v25, v16;
	v14 =	vsub.f32 v48, v23;
	(erf) = vrcp.f32 v17;
	v13 =	vpop (erf)  }
0x154: {  	s13 =	scvt.s32.f32 s23;
	v12 =	vsub.f32 v29, v9;
	(erf) = vrcp.f32 v18;
	v13 =	vmul.f32 v13, v40  }
0x155: {  	s12 =	scvt.s32.f32 s6;
	s11 =	sadd.f32 s8, s8;
	vm1 =	vgt.f32 v11, $0.0e+00;
	vm7 =	vgt.f32 v56, $0.0e+00;
	(erf) = vrcp.f32 v14  }
0x156: {  	s13 =	sadd.f32 s13, s13;
	vm4 =	vgt.f32 v12, $0.0e+00;
	(erf) = vrcp.f32 v11;
	v19 =	vmax.f32 v13, $0.0e+00  }
0x157: {  	s12 =	sadd.f32 s12, s12;
	[tilespmem:v5+s20+$0x0] =	vst.idx.msk $0xffff, v20;
	v11 =	vadd.s32 v4, v34;
	v5 =	vmin.f32 v19, $1.000000000e+00;
	v19 =	vsub.f32 v28, v22  }
0x158: {  	s13 =	sadd.f32 $1.000000000e+00, s13;
	(erf) = vrcp.f32 v12;
	v12 =	vadd.s32 v4, v24;
	v4 =	vnsel vm7, $0x0, v5  }
0x159: {  	s11 =	sadd.f32 $1.000000000e+00, s11;
	v63 =	vadd.s32 v3, v37;
	v24 =	vmul.f32 v4, v19;
	v4 =	vld [tilespmem:$0x1FFC0]  }
0x15a: {  	s12 =	sadd.f32 $1.000000000e+00, s12;
	s13 =	smul.f32 $7.812500000e-03, s13;
	v43 =	vadd.s32 v3, v43  }
0x15b: {  	s9 =	scvt.s32.f32 s3;
	s28 =	smul.f32 $7.812500000e-03, s11  }
0x15c: {  	s12 =	smul.f32 $7.812500000e-03, s12;
	v31 =	vld.idx.msk [tilespmem:v36+s15+$0x0], $0xffff;
	v47 =	vsub.f32 s13, v49  }
0x15d: {  	s9 =	sadd.f32 s9, s9;
	v58 =	vsub.f32 s28, v23;
	v23 =	vld.idx.msk [tilespmem:v59+s15+$0x0], $0xffff;
	v59 =	vsub.f32 s25, v16;
	vm3 =	vgt.f32 v17, $0.0e+00;
	v17 =	vpop (erf)  }
0x15e: {  	v16 =	vld.idx.msk [tilespmem:v63+s15+$0x0], $0xffff;
	vm0 =	vgt.f32 v18, $0.0e+00;
	v56 =	vsub.f32 s12, v27;
	v18 =	vmul.f32 v17, v47  }
0x15f: {  	s26 =	sadd.f32 $1.000000000e+00, s9;
	v57 =	vld.idx.msk [tilespmem:v43+s15+$0x0], $0xffff;
	v20 =	vpop (erf)  }
0x160: {  	[tilespmem:v1+s20+$0x0] =	vst.idx.msk $0xffff, v21;
	vm2 =	vgt.f32 v14, $0.0e+00;
	v14 =	vld.idx.msk [tilespmem:v61+s15+$0x0], $0xffff;
	v1 =	vmul.f32 v20, v56;
	v20 =	vmax.f32 v18, $0.0e+00  }
0x161: {  	s7 =	sadd.f32 $1.000000000e+00, s7;
	s29 =	smul.f32 $7.812500000e-03, s26;
	v35 =	vadd.s32 v3, v35;
	v21 =	vmin.f32 v20, $1.000000000e+00;
	v20 =	vld.idx.msk [tilespmem:v4+s15+$0x0], $0xffff  }
0x162: {  	v39 =	vadd.s32 v3, v39;
	v4 =	vld [tilespmem:$0x1FFD0]  }
0x163: {  	s24 =	smul.f32 $7.812500000e-03, s7;
	v30 =	vsub.f32 s29, v32;
	v32 =	vld.idx.msk [tilespmem:v8+s15+$0x0], $0xffff  }
0x164: {  	v25 =	vld.idx.msk [tilespmem:v60+s15+$0x0], $0xffff;
	v63 =	vimm.s32 $0x0;
	vm5 =	vgt.f32 v46, $0.0e+00  }
0x165: {  	vm6 =	vgt.f32 v44, $0.0e+00;
	v31 =	vsub.f32 v31, v16;
	v9 =	vsub.f32 s24, v9;
	v17 =	vld.idx.msk [tilespmem:v7+s15+$0x0], $0xffff;
	v7 =	vpop (erf)  }
.Ltmp5:
0x166: {  	v27 =	vld.idx.msk [tilespmem:v35+s15+$0x0], $0xffff;
	v28 =	vsub.f32 v57, v14;
	v7 =	vmul.f32 v7, v30;
	v62 =	vmax.f32 v1, $0.0e+00;
	v5 =	vpop (erf);
	(pc) =	sbr.rel @p1 .LBB2_9-.Ltmp5, $4  }
0x167: {  	v29 =	vld.idx.msk [tilespmem:v39+s15+$0x0], $0xffff;
	v30 =	vnsel vm6, $0x0, v21;
	v13 =	vmin.f32 v62, $1.000000000e+00;
	v5 =	vmul.f32 v5, v33;
	v8 =	vpop (erf)  }
0x168: {  	v18 =	vld.idx.msk [tilespmem:v26+s15+$0x0], $0xffff;
	v7 =	vmax.f32 v7, $0.0e+00;
	v26 =	vnsel vm5, $0x0, v13;
	v8 =	vmul.f32 v8, v58;
	v1 =	vpop (erf)  }
0x169: {  	v19 =	vld.idx.msk [tilespmem:v50+s15+$0x0], $0xffff;
	v34 =	vmin.f32 v7, $1.000000000e+00;
	v5 =	vmax.f32 v5, $0.0e+00;
	v35 =	vmul.f32 v1, v59;
	v1 =	vpop (erf)  }
0x16a: {  	v33 =	vmin.f32 v5, $1.000000000e+00;
	v36 =	vmul.f32 v1, v9;
	v37 =	vmax.f32 v8, $0.0e+00;
	v21 =	vld.idx.msk [tilespmem:v4+s15+$0x0], $0xffff  }
0x16b: {  	v1 =	vmax.f32 v35, $0.0e+00;
	v5 =	vmin.f32 v37, $1.000000000e+00  }
0x16c: {  	v7 =	vsub.f32 v23, v17;
	v61 =	vmul.f32 v30, v28;
	v62 =	vnsel vm3, $0x0, v34  }
0x16d: {  	v26 =	vmul.f32 v26, v31;
	v22 =	vadd.f32 v24, v22;
	v6 =	vmax.f32 v36, $0.0e+00  }
0x16e: {  	v1 =	vmin.f32 v1, $1.000000000e+00;
	v60 =	vsub.f32 v29, v20;
	v5 =	vnsel vm2, $0x0, v5  }
0x16f: {  	v6 =	vmin.f32 v6, $1.000000000e+00;
	v9 =	vsub.f32 v25, v18;
	v7 =	vmul.f32 v62, v7  }
0x170: {  	v14 =	vadd.f32 v61, v14;
	v1 =	vnsel vm1, $0x0, v1;
	[tilespmem:v15+s20+$0x0] =	vst.idx.msk $0xffff, v22;
	v8 =	vsub.f32 v27, v19  }
0x171: {  	v59 =	vsub.f32 v32, v21;
	v5 =	vmul.f32 v5, v9;
	v9 =	vadd.f32 v26, v16  }
0x172: {  	v6 =	vnsel vm4, $0x0, v6;
	v7 =	vadd.f32 v7, v17;
	[tilespmem:v52+s20+$0x0] =	vst.idx.msk $0xffff, v14;
	v1 =	vmul.f32 v1, v8  }
0x173: {  	v6 =	vmul.f32 v6, v60;
	v8 =	vnsel vm0, $0x0, v33;
	v5 =	vadd.f32 v5, v18;
	[tilespmem:v53+s20+$0x0] =	vst.idx.msk $0xffff, v9  }
0x174: {  	v8 =	vmul.f32 v8, v59;
	[tilespmem:v51+s20+$0x0] =	vst.idx.msk $0xffff, v7;
	v1 =	vadd.f32 v1, v19  }
0x175: {  	v6 =	vadd.f32 v6, v20;
	[tilespmem:v10+s20+$0x0] =	vst.idx.msk $0xffff, v5  }
0x176: {  	v5 =	vadd.f32 v8, v21;
	[tilespmem:v11+s20+$0x0] =	vst.idx.msk $0xffff, v1  }
0x177: {  	s0 =	rddreg [dreg:$0xf];
	[tilespmem:v12+s20+$0x0] =	vst.idx.msk $0xffff, v6  }
0x178: {  	s1 =	rddreg [dreg:$0x2];
	[tilespmem:v0+s20+$0x0] =	vst.idx.msk $0xffff, v5;
	s0 =	smul.u32 $0x18, s0  }
0x179: {  	s18 =	rddreg [dreg:$0xd]  }
0x17a: {  	s3 =	rddreg [dreg:$0xe];
	s0 =	sadd.s32 s1, s0  }
0x17b: {  	[hbm4b:s0+s5] =	stream.linear.scatter [tilespmem:s20], [sflag:$0x3], $0xC00, $0x38;
	[tilespmem:$0x4500] =	vst v63  }
0x17c: {  	p1 =	seq.s32 s18, $0x3F;
	s0 =	rddreg [dreg:$0x9]  }
0x17d: {  	s0 =	sadd.s32 @!p1 s3, s0  }
0x17e: {  	s0 =	sshll.u32 @!p1 s0, $0x4  }
0x17f: {  	s1 =	rddreg [dreg:$0x0];
	s0 =	sand.u32 @!p1 $0x1FFFFE00, s0  }
0x180: {  	s2 =	simm.s32 @!p1 $0x0;
	s1 =	sadd.s32 @!p1 s1, s0  }
0x181: {  	[tilespmem:s2], [sflag:$0x1] =	stream.linear.gather @!p1 [hbm4b:s1+s2], $0x800, $0x38;
	[tilespmem:$0x4500] =	vst v63  }
0x182: {  	s1 =	rddreg [dreg:$0x1]  }
0x183: {  	s21 =	simm.s32 $0x2;
	s0 =	sadd.s32 @!p1 s1, s0;
	s1 =	simm.s32 @!p1 $0x800  }
0x184: {  	[tilespmem:s1], [sflag:$0x1] =	stream.linear.gather @!p1 [hbm4b:s0+s2], $0x800, $0x38;
	[tilespmem:$0x4500] =	vst v63  }
0x185: {  	s0 =	simm.s32 $0x0;
	_ =	swait.ge [sflag:s21], $0x800  }
0x186: {  	v1 =	vmov s0;
	[sflag:s21] =	ssyncset.done $0x0  }
0x187: {  	s23 =	simm.s32 $0x1;
	v1 =	vand.u32 $0x78, v1;
	[sflag:s21] =	ssyncadd.s32 $0xFFFFF800  }
0x188: {  	v5 =	vmov s23;
	v1 =	vbroadcast v1, $0x0;
	_ =	swait.ge [sflag:s21], $0x800  }
0x189: {  	s24 =	simm.s32 $0x2;
	v5 =	vand.u32 $0x79, v5;
	[sflag:s21] =	ssyncset.done $0x0  }
0x18a: {  	s25 =	simm.s32 $0x3;
	v6 =	vmov s24;
	v5 =	vbroadcast v5, $0x0;
	s2 =	simm.s32 @!p0 $0x4;
	v1 =	vor.u32 v3, v1;
	[sflag:s21] =	ssyncadd.s32 $0xFFFFF800  }
0x18b: {  	v7 =	vmov s25;
	v6 =	vand.u32 $0x7A, v6;
	_ =	swait.ge @!p0 [sflag:s2], $0xC00  }
0x18c: {  	s26 =	simm.s32 $0x4;
	v7 =	vand.u32 $0x7B, v7;
	v6 =	vbroadcast v6, $0x0;
	v5 =	vor.u32 v3, v5;
	[sflag:s2] =	ssyncset.done @!p0 $0x0  }
0x18d: {  	v9 =	vmov s26;
	v8 =	vimm.f32 $0.0e+00;
	v7 =	vbroadcast v7, $0x0;
	[sflag:s2] =	ssyncadd.s32 @!p0 $0xFFFFF400  }
0x18e: {  	s28 =	simm.s32 $0x5;
	v9 =	vand.u32 $0x7C, v9;
	v6 =	vor.u32 v3, v6;
	[tilespmem:v2+s19+$0x0] =	vst.idx.msk $0xffff, v8  }
0x18f: {  	s29 =	simm.s32 $0x6;
	v9 =	vbroadcast v9, $0x0;
	v13 =	vor.u32 v3, v7;
	v7 =	vmov s28;
	v1 =	vld.idx.msk [tilespmem:v1+s16+$0x0], $0xffff  }
0x190: {  	v10 =	vmov s29;
	v7 =	vand.u32 $0x7D, v7  }
0x191: {  	v11 =	vor.u32 v3, v9;
	v12 =	vbroadcast v7, $0x0;
	v7 =	vand.u32 $0x7E, v10;
	s30 =	rddreg [dreg:$0x6];
	v10 =	vld.idx.msk [tilespmem:v5+s16+$0x0], $0xffff  }
0x192: {  	s31 =	sadd.s32 s3, s30  }
0x193: {  	v9 =	vor.u32 v3, v12;
	s2 =	sadd.s32 $0x10, s31;
	v5 =	vbroadcast v7, $0x0;
	v7 =	vld.idx.msk [tilespmem:v6+s16+$0x0], $0xffff  }
0x194: {  	s1 =	simm.s32 $0x8;
	[dreg:$0x10] =	wrdreg s2;
	v12 =	vadd.f32 v1, v8  }
0x195: {  	s2 =	simm.s32 $0x10;
	v6 =	vld.idx.msk [tilespmem:v13+s16+$0x0], $0xffff;
	v13 =	vmov s1;
	v8 =	vor.u32 v3, v5  }
.LBB2_11:
0x196: {  	p0 =	slt.u32 s2, $0x78;
	v1 =	vand.u32 $0x78, v13;
	s3 =	sadd.s32 $0x1, s1;
	v5 =	vadd.f32 v10, v12;
	v10 =	vld.idx.msk [tilespmem:v11+s16+$0x0], $0xffff;
	s0 =	sadd.s32 $0x7, s0  }
0x197: {  	v1 =	vbroadcast v1, $0x0;
	v11 =	vmov s3;
	v12 =	vor.u32 s0, v3;
	s0 =	smov.u32 s1;
	s1 =	smov.u32 s2  }
0x198: {  	v11 =	vand.u32 $0x79, v11;
	s3 =	sadd.s32 $0x2, s0;
	v5 =	vadd.f32 v7, v5;
	v7 =	vld.idx.msk [tilespmem:v9+s16+$0x0], $0xffff  }
0x199: {  	v1 =	vor.u32 v3, v1;
	v9 =	vbroadcast v11, $0x0;
	v11 =	vmov s3  }
0x19a: {  	s3 =	sadd.s32 $0x3, s0;
	v11 =	vand.u32 $0x7A, v11;
	v5 =	vadd.f32 v6, v5;
	v6 =	vld.idx.msk [tilespmem:v8+s16+$0x0], $0xffff  }
0x19b: {  	v8 =	vor.u32 v3, v9;
	v9 =	vbroadcast v11, $0x0;
	v11 =	vmov s3  }
0x19c: {  	s3 =	sadd.s32 $0x4, s0;
	v11 =	vand.u32 $0x7B, v11;
	v5 =	vadd.f32 v10, v5;
	v12 =	vld.idx.msk [tilespmem:v12+s16+$0x0], $0xffff  }
0x19d: {  	v9 =	vor.u32 v3, v9;
	v10 =	vbroadcast v11, $0x0;
	v11 =	vmov s3  }
0x19e: {  	s3 =	sadd.s32 $0x5, s0;
	v1 =	vld.idx.msk [tilespmem:v1+s16+$0x0], $0xffff;
	v11 =	vand.u32 $0x7C, v11;
	v5 =	vadd.f32 v7, v5  }
0x19f: {  	v13 =	vor.u32 v3, v10;
	v7 =	vbroadcast v11, $0x0;
	v11 =	vmov s3  }
0x1a0: {  	s3 =	sadd.s32 $0x6, s0;
	v10 =	vld.idx.msk [tilespmem:v8+s16+$0x0], $0xffff;
	v8 =	vand.u32 $0x7D, v11;
	v5 =	vadd.f32 v6, v5  }
.Ltmp6:
0x1a1: {  	v11 =	vor.u32 v3, v7;
	v6 =	vbroadcast v8, $0x0;
	v8 =	vmov s3;
	(pc) =	sbr.rel @p0 .LBB2_11-.Ltmp6, $4  }
0x1a2: {  	v7 =	vld.idx.msk [tilespmem:v9+s16+$0x0], $0xffff;
	v8 =	vand.u32 $0x7E, v8;
	v5 =	vadd.f32 v12, v5  }
0x1a3: {  	v9 =	vor.u32 v3, v6;
	v8 =	vbroadcast v8, $0x0  }
0x1a4: {  	v12 =	vadd.f32 v1, v5;
	v6 =	vld.idx.msk [tilespmem:v13+s16+$0x0], $0xffff  }
0x1a5: {  	s2 =	sadd.s32 $0x8, s2;
	v13 =	vmov s1;
	v8 =	vor.u32 v3, v8  }
0x1a6: {  	_ =	sdelay $0x2  }
0x1a7: {  	v1 =	vand.u32 $0x78, v13;
	v5 =	vadd.f32 v10, v12  }
0x1a8: {  	s2 =	sadd.s32 $0x1, s1;
	v10 =	vld.idx.msk [tilespmem:v11+s16+$0x0], $0xffff;
	s0 =	sadd.s32 $0x7, s0;
	v1 =	vbroadcast v1, $0x0  }
0x1a9: {  	s10 =	sadd.s32 $0x2, s1;
	v11 =	vmov s2;
	v12 =	vor.u32 s0, v3;
	v5 =	vadd.f32 v7, v5  }
0x1aa: {  	v9 =	vld.idx.msk [tilespmem:v9+s16+$0x0], $0xffff;
	v7 =	vand.u32 $0x79, v11;
	v11 =	vmov s10;
	v1 =	vor.u32 v3, v1  }
0x1ab: {  	v7 =	vbroadcast v7, $0x0;
	v11 =	vand.u32 $0x7A, v11;
	v5 =	vadd.f32 v6, v5  }
0x1ac: {  	s11 =	sadd.s32 $0x3, s1;
	v6 =	vld.idx.msk [tilespmem:v8+s16+$0x0], $0xffff;
	v8 =	vbroadcast v11, $0x0  }
0x1ad: {  	s12 =	sadd.s32 $0x4, s1;
	v11 =	vmov s11;
	v7 =	vor.u32 v3, v7;
	v5 =	vadd.f32 v10, v5  }
0x1ae: {  	v10 =	vand.u32 $0x7B, v11;
	v11 =	vld.idx.msk [tilespmem:v12+s16+$0x0], $0xffff;
	v8 =	vor.u32 v3, v8;
	v12 =	vmov s12  }
0x1af: {  	v10 =	vbroadcast v10, $0x0;
	v12 =	vand.u32 $0x7C, v12;
	v5 =	vadd.f32 v9, v5  }
0x1b0: {  	s13 =	sadd.s32 $0x5, s1;
	v1 =	vld.idx.msk [tilespmem:v1+s16+$0x0], $0xffff;
	v9 =	vbroadcast v12, $0x0  }
0x1b1: {  	v12 =	vmov s13;
	v10 =	vor.u32 v3, v10;
	v5 =	vadd.f32 v6, v5  }
0x1b2: {  	s18 =	sadd.s32 $0x6, s1;
	v6 =	vld.idx.msk [tilespmem:v7+s16+$0x0], $0xffff;
	v7 =	vand.u32 $0x7D, v12;
	v9 =	vor.u32 v3, v9  }
0x1b3: {  	v12 =	vmov s18;
	v7 =	vbroadcast v7, $0x0;
	v5 =	vadd.f32 v11, v5  }
0x1b4: {  	v8 =	vld.idx.msk [tilespmem:v8+s16+$0x0], $0xffff;
	v11 =	vand.u32 $0x7E, v12  }
0x1b5: {  	s24 =	simm.s32 $0x0;
	v7 =	vor.u32 v3, v7;
	v11 =	vbroadcast v11, $0x0;
	v1 =	vadd.f32 v1, v5  }
0x1b6: {  	v17 =	vor.u32 s24, v3;
	v5 =	vld.idx.msk [tilespmem:v10+s16+$0x0], $0xffff  }
0x1b7: {  	s0 =	simm.s32 $0x1;
	v10 =	vor.u32 v3, v11;
	v1 =	vadd.f32 v6, v1  }
0x1b8: {  	s21 =	sadd.s32 $0x7, s1;
	v11 =	vor.u32 s0, v3;
	v6 =	vld.idx.msk [tilespmem:v9+s16+$0x0], $0xffff  }
0x1b9: {  	s2 =	simm.s32 $0x2;
	v9 =	vor.u32 s21, v3;
	v1 =	vadd.f32 v8, v1  }
0x1ba: {  	v13 =	vor.u32 s2, v3;
	v7 =	vld.idx.msk [tilespmem:v7+s16+$0x0], $0xffff  }
0x1bb: {  	s6 =	simm.s32 $0x3;
	v1 =	vadd.f32 v5, v1;
	v5 =	vld.idx.msk [tilespmem:v17+s16+$0x0], $0xffff  }
0x1bc: {  	v14 =	vor.u32 s6, v3;
	v8 =	vld.idx.msk [tilespmem:v10+s16+$0x0], $0xffff  }
0x1bd: {  	s7 =	simm.s32 $0x4;
	v1 =	vadd.f32 v6, v1;
	v6 =	vld.idx.msk [tilespmem:v11+s16+$0x0], $0xffff  }
0x1be: {  	v16 =	vor.u32 s7, v3;
	v9 =	vld.idx.msk [tilespmem:v9+s16+$0x0], $0xffff  }
0x1bf: {  	s9 =	simm.s32 $0x5;
	v10 =	vld.idx.msk [tilespmem:v13+s16+$0x0], $0xffff;
	v1 =	vadd.f32 v7, v1;
	v7 =	vimm.f32 $0.0e+00  }
0x1c0: {  	v22 =	vor.u32 s9, v3;
	v5 =	vadd.f32 v5, v7  }
0x1c1: {  	s10 =	simm.s32 $0x6;
	v7 =	vld.idx.msk [tilespmem:v14+s16+$0x0], $0xffff;
	v1 =	vadd.f32 v8, v1  }
0x1c2: {  	v25 =	vor.u32 s10, v3;
	v33 =	vadd.f32 v6, v5  }
0x1c3: {  	s13 =	simm.s32 $0x7;
	v6 =	vld.idx.msk [tilespmem:v16+s16+$0x0], $0xffff;
	v1 =	vadd.f32 v9, v1  }
0x1c4: {  	v30 =	vor.u32 s13, v3;
	v36 =	vadd.f32 v10, v33  }
0x1c5: {  	s31 =	simm.s32 $0x8;
	v9 =	vld.idx.msk [tilespmem:v22+s16+$0x0], $0xffff;
	v8 =	vsub.f32 $9.999999740e-06, v1  }
0x1c6: {  	v19 =	vor.u32 s31, v3;
	v37 =	vadd.f32 v7, v36  }
0x1c7: {  	s11 =	simm.s32 $0x9;
	v7 =	vmax.f32 v8, $0.0e+00;
	v8 =	vld.idx.msk [tilespmem:v25+s16+$0x0], $0xffff  }
0x1c8: {  	v21 =	vor.u32 s11, v3;
	v7 =	vmul.f32 $7.812500000e-03, v7;
	v38 =	vadd.f32 v6, v37  }
0x1c9: {  	s8 =	simm.s32 $0xA;
	v6 =	vld.idx.msk [tilespmem:v30+s16+$0x0], $0xffff  }
0x1ca: {  	v20 =	vor.u32 s8, v3;
	v10 =	vmul.f32 $1.280000000e+02, v7;
	v39 =	vadd.f32 v9, v38  }
0x1cb: {  	s3 =	simm.s32 $0xB;
	v9 =	vld.idx.msk [tilespmem:v19+s16+$0x0], $0xffff  }
0x1cc: {  	v18 =	vor.u32 s3, v3;
	v1 =	vadd.f32 v10, v1;
	v40 =	vadd.f32 v8, v39  }
0x1cd: {  	v8 =	vld.idx.msk [tilespmem:v21+s16+$0x0], $0xffff  }
0x1ce: {  	(erf) = vrcp.f32 v1;
	v1 =	vadd.f32 v6, v40  }
0x1cf: {  	v6 =	vld.idx.msk [tilespmem:v20+s16+$0x0], $0xffff  }
0x1d0: {  	v24 =	vadd.f32 v9, v1  }
0x1d1: {  	s23 =	scvt.s32.f32 s3;
	v9 =	vld.idx.msk [tilespmem:v18+s16+$0x0], $0xffff  }
0x1d2: {  	v49 =	vadd.s32 s6, v2;
	v50 =	vadd.s32 s7, v2;
	v23 =	vadd.f32 v8, v24  }
0x1d3: {  	s4 =	simm.s32 $0xC;
	v52 =	vadd.s32 s9, v2;
	v54 =	vadd.s32 s3, v2;
	s12 =	scvt.s32.f32 s0;
	v8 =	vmul.f32 s23, v7  }
0x1d4: {  	s25 =	scvt.s32.f32 s4;
	v27 =	vor.u32 s4, v3;
	v57 =	vadd.s32 s4, v2;
	v6 =	vadd.f32 v6, v23  }
0x1d5: {  	s26 =	scvt.s32.f32 s8;
	v60 =	vadd.s32 s31, v2;
	v44 =	vadd.s32 s0, v2;
	s21 =	scvt.s32.f32 s2;
	v15 =	vmul.f32 s12, v7  }
0x1d6: {  	s30 =	simm.s32 $0xF;
	s1 =	scvt.s32.f32 s9;
	v12 =	vmul.f32 s25, v7;
	v10 =	vadd.f32 v6, v8;
	v41 =	vadd.f32 v9, v6  }
0x1d7: {  	v48 =	vadd.s32 s2, v2;
	v42 =	vmul.f32 s21, v7;
	s25 =	scvt.s32.f32 s6;
	v31 =	vmul.f32 s26, v7;
	s26 =	scvt.s32.f32 s30;
	v8 =	vpop (erf)  }
0x1d8: {  	v53 =	vmul.f32 s1, v7;
	v35 =	vmul.f32 v10, v8;
	v9 =	vadd.f32 v41, v12  }
0x1d9: {  	v55 =	vadd.s32 s10, v2;
	v46 =	vmul.f32 s25, v7;
	v29 =	vmul.f32 s26, v7;
	s26 =	scvt.s32.f32 s7  }
0x1da: {  	v58 =	vadd.s32 s13, v2;
	v10 =	vmul.f32 $6.400000000e+01, v35;
	v28 =	vmul.f32 v9, v8  }
0x1db: {  	s18 =	scvt.s32.f32 s31;
	v5 =	vadd.f32 v5, v15;
	v42 =	vadd.f32 v33, v42;
	v51 =	vmul.f32 s26, v7  }
0x1dc: {  	v38 =	vadd.f32 v38, v53;
	[dreg:$0x12] =	wrdreg s21;
	s21 =	simm.s32 $0xD;
	v9 =	vadd.f32 $5.000000000e-01, v10;
	v10 =	vmul.f32 $6.400000000e+01, v28  }
0x1dd: {  	v43 =	vmul.f32 s18, v7;
	v36 =	vadd.f32 v36, v46;
	v37 =	vadd.f32 v37, v51;
	s29 =	scvt.s32.f32 s21  }
0x1de: {  	v33 =	vor.u32 s21, v3;
	s23 =	scvt.s32.f32 s11;
	v9 =	vtrunc.f32 v9;
	v10 =	vadd.f32 $5.000000000e-01, v10  }
0x1df: {  	s28 =	simm.s32 $0xE;
	v4 =	vld [tilespmem:$0x1FFF0];
	s18 =	simm.s32 $0x10;
	v1 =	vadd.f32 v1, v43;
	v34 =	vmul.f32 s29, v7;
	v9 =	vcvt.f32.s32 v9  }
0x1e0: {  	s29 =	scvt.s32.f32 s18;
	v32 =	vmul.f32 s23, v7;
	s23 =	scvt.s32.f32 s28;
	v23 =	vadd.f32 v23, v31;
	v10 =	vtrunc.f32 v10  }
0x1e1: {  	v61 =	vld.idx.msk [tilespmem:v27+s16+$0x0], $0xffff;
	v6 =	vimm.s32 $0x0;
	v12 =	vadd.s32 s3, v9;
	s3 =	scvt.s32.f32 s10;
	v10 =	vcvt.f32.s32 v10  }
0x1e2: {  	v26 =	vmul.f32 s29, v7;
	v47 =	vmul.f32 s23, v7;
	v45 =	vadd.s32 s24, v6  }
0x1e3: {  	v53 =	vld.idx.msk [tilespmem:v33+s16+$0x0], $0xffff;
	v5 =	vmul.f32 v5, v8;
	v56 =	vmul.f32 s3, v7;
	v15 =	vadd.s32 s4, v10;
	s4 =	scvt.s32.f32 s13  }
0x1e4: {  	v45 =	vadd.s32 v4, v45;
	v42 =	vmul.f32 v42, v8;
	v36 =	vmul.f32 v36, v8  }
0x1e5: {  	v37 =	vmul.f32 v37, v8;
	v59 =	vmul.f32 s4, v7;
	v39 =	vadd.f32 v39, v56  }
0x1e6: {  	v38 =	vmul.f32 v38, v8;
	v41 =	vadd.f32 v61, v41;
	v1 =	vmul.f32 v1, v8  }
0x1e7: {  	v62 =	vmul.f32 $6.400000000e+01, v42;
	v40 =	vadd.f32 v40, v59;
	v39 =	vmul.f32 v39, v8  }
0x1e8: {  	v46 =	vmul.f32 $6.400000000e+01, v5;
	[tilespmem:v44+s19+$0x0] =	vst.idx.msk $0xffff, v5;
	v5 =	vmul.f32 $6.400000000e+01, v1;
	v53 =	vadd.f32 v53, v41  }
0x1e9: {  	[tilespmem:v48+s19+$0x0] =	vst.idx.msk $0xffff, v42;
	v51 =	vadd.f32 $5.000000000e-01, v62;
	v40 =	vmul.f32 v40, v8;
	v59 =	vmul.f32 $6.400000000e+01, v39  }
0x1ea: {  	v61 =	vmul.f32 $6.400000000e+01, v38;
	[tilespmem:v49+s19+$0x0] =	vst.idx.msk $0xffff, v36;
	v5 =	vadd.f32 $5.000000000e-01, v5;
	v44 =	vadd.f32 v53, v47  }
0x1eb: {  	[tilespmem:v60+s19+$0x0] =	vst.idx.msk $0xffff, v1;
	v62 =	vmul.f32 $6.400000000e+01, v37;
	v43 =	vmul.f32 $6.400000000e+01, v40;
	v59 =	vadd.f32 $5.000000000e-01, v59  }
0x1ec: {  	[tilespmem:v50+s19+$0x0] =	vst.idx.msk $0xffff, v37;
	v61 =	vadd.f32 $5.000000000e-01, v61;
	v5 =	vtrunc.f32 v5;
	v44 =	vmul.f32 v44, v8  }
0x1ed: {  	[tilespmem:v52+s19+$0x0] =	vst.idx.msk $0xffff, v38;
	v56 =	vmul.f32 $6.400000000e+01, v36;
	v43 =	vadd.f32 $5.000000000e-01, v43;
	v59 =	vtrunc.f32 v59  }
0x1ee: {  	v38 =	vor.u32 s28, v3;
	v17 =	vld.idx.msk [tilespmem:v17+s17+$0x0], $0xffff;
	[tilespmem:v55+s19+$0x0] =	vst.idx.msk $0xffff, v39;
	v47 =	vcvt.f32.s32 v59;
	v59 =	vtrunc.f32 v61  }
0x1ef: {  	v52 =	vimm.s32 $0x1;
	[tilespmem:v58+s19+$0x0] =	vst.idx.msk $0xffff, v40;
	v43 =	vtrunc.f32 v43;
	v1 =	vcvt.f32.s32 v59  }
0x1f0: {  	v46 =	vadd.f32 $5.000000000e-01, v46;
	v5 =	vcvt.f32.s32 v5;
	v0 =	vld [tilespmem:$0x1FFE0];
	v43 =	vcvt.f32.s32 v43  }
0x1f1: {  	v42 =	vadd.f32 $5.000000000e-01, v56;
	v39 =	vor.u32 s30, v3;
	v55 =	vld.idx.msk [tilespmem:v25+s17+$0x0], $0xffff;
	v25 =	vadd.s32 s9, v1  }
0x1f2: {  	v22 =	vld.idx.msk [tilespmem:v22+s17+$0x0], $0xffff;
	v58 =	vtrunc.f32 v51;
	v61 =	vadd.s32 s13, v43;
	v59 =	vadd.s32 v4, v25  }
0x1f3: {  	v30 =	vld.idx.msk [tilespmem:v30+s17+$0x0], $0xffff;
	[tilespmem:v45+s22+$0x0] =	vst.idx.msk $0xffff, v17;
	v37 =	vcvt.f32.s32 v58;
	v60 =	vadd.s32 s10, v47;
	v56 =	vadd.s32 v4, v61  }
0x1f4: {  	[tilespmem:v54+s19+$0x0] =	vst.idx.msk $0xffff, v35;
	v54 =	vadd.s32 s21, v2;
	v36 =	vadd.s32 v4, v60;
	v60 =	vtrunc.f32 v42  }
0x1f5: {  	[tilespmem:v57+s19+$0x0] =	vst.idx.msk $0xffff, v28;
	v42 =	vadd.s32 s28, v2;
	v40 =	vadd.s32 v0, v47;
	v61 =	vmul.f32 $6.400000000e+01, v44  }
0x1f6: {  	v1 =	vadd.s32 v0, v1;
	v47 =	vld.idx.msk [tilespmem:v13+s17+$0x0], $0xffff;
	v13 =	vadd.f32 v41, v34;
	v17 =	vcvt.f32.s32 v60  }
0x1f7: {  	v25 =	vadd.f32 $5.000000000e-01, v61;
	v61 =	vadd.f32 $5.000000000e-01, v62;
	v62 =	vadd.s32 v0, v5;
	[tilespmem:v59+s22+$0x0] =	vst.idx.msk $0xffff, v22  }
0x1f8: {  	v60 =	vadd.s32 s2, v37;
	v58 =	vadd.s32 s6, v17;
	v22 =	vtrunc.f32 v46;
	[tilespmem:v56+s22+$0x0] =	vst.idx.msk $0xffff, v30  }
0x1f9: {  	v56 =	vadd.s32 v0, v43;
	v46 =	vcvt.f32.s32 v22;
	v22 =	vadd.f32 v24, v32;
	v24 =	vld.idx.msk [tilespmem:v38+s16+$0x0], $0xffff  }
0x1fa: {  	v11 =	vld.idx.msk [tilespmem:v11+s17+$0x0], $0xffff;
	[tilespmem:v36+s22+$0x0] =	vst.idx.msk $0xffff, v55;
	v25 =	vtrunc.f32 v25;
	v30 =	vtrunc.f32 v61;
	v61 =	vadd.s32 s11, v2  }
0x1fb: {  	v31 =	vld.idx.msk [tilespmem:v39+s16+$0x0], $0xffff;
	v17 =	vadd.s32 v0, v17;
	[tilespmem:v42+s19+$0x0] =	vst.idx.msk $0xffff, v44;
	v25 =	vcvt.f32.s32 v25;
	v30 =	vcvt.f32.s32 v30  }
0x1fc: {  	v43 =	vadd.s32 v4, v58;
	[tilespmem:v62+s14+$0x0] =	vst.idx.add.s32.msk $0xffff, v52;
	v62 =	vadd.s32 s8, v2;
	v55 =	vmul.f32 v22, v8  }
0x1fd: {  	[tilespmem:v40+s14+$0x0] =	vst.idx.add.s32.msk $0xffff, v52;
	v59 =	vadd.s32 s7, v30;
	v22 =	vadd.s32 v0, v30;
	v30 =	vadd.s32 v4, v60  }
0x1fe: {  	v5 =	vadd.s32 s31, v5;
	v45 =	vadd.s32 v4, v59;
	[tilespmem:v56+s14+$0x0] =	vst.idx.add.s32.msk $0xffff, v52;
	v24 =	vadd.f32 v24, v53  }
0x1ff: {  	v36 =	vadd.s32 s28, v25;
	v59 =	vadd.s32 s30, v2;
	v56 =	vld.idx.msk [tilespmem:v14+s17+$0x0], $0xffff;
	v14 =	vmul.f32 v23, v8;
	[tilespmem:v61+s19+$0x0] =	vst.idx.msk $0xffff, v55  }
0x200: {  	v23 =	vld.idx.msk [tilespmem:v19+s17+$0x0], $0xffff;
	v19 =	vmul.f32 v13, v8;
	v28 =	vadd.f32 v24, v29;
	v24 =	vadd.f32 v31, v24  }
0x201: {  	v16 =	vld.idx.msk [tilespmem:v16+s17+$0x0], $0xffff;
	v58 =	vadd.s32 s0, v46;
	[tilespmem:v62+s19+$0x0] =	vst.idx.msk $0xffff, v14;
	v29 =	vmul.f32 $6.400000000e+01, v55;
	v14 =	vmul.f32 $6.400000000e+01, v14  }
0x202: {  	v13 =	vld.idx.msk [tilespmem:v20+s17+$0x0], $0xffff;
	v20 =	vmul.f32 $6.400000000e+01, v19;
	v28 =	vmul.f32 v28, v8;
	v26 =	vadd.f32 v24, v26  }
0x203: {  	v60 =	vadd.s32 s18, v2;
	v21 =	vld.idx.msk [tilespmem:v21+s17+$0x0], $0xffff;
	[tilespmem:v54+s19+$0x0] =	vst.idx.msk $0xffff, v19;
	v29 =	vadd.f32 $5.000000000e-01, v29;
	v31 =	vadd.f32 $5.000000000e-01, v14  }
0x204: {  	v14 =	vld.idx.msk [tilespmem:v18+s17+$0x0], $0xffff;
	v20 =	vadd.f32 $5.000000000e-01, v20;
	[tilespmem:v59+s19+$0x0] =	vst.idx.msk $0xffff, v28;
	v28 =	vmul.f32 $6.400000000e+01, v28;
	v61 =	vmul.f32 v26, v8  }
0x205: {  	v19 =	vadd.s32 v0, v37;
	[tilespmem:v30+s22+$0x0] =	vst.idx.msk $0xffff, v47;
	v18 =	vld.idx.msk [tilespmem:v33+s17+$0x0], $0xffff;
	v29 =	vtrunc.f32 v29;
	v62 =	vtrunc.f32 v31  }
0x206: {  	[tilespmem:v45+s22+$0x0] =	vst.idx.msk $0xffff, v16;
	v16 =	vld.idx.msk [tilespmem:v27+s17+$0x0], $0xffff;
	v20 =	vtrunc.f32 v20;
	v32 =	vcvt.f32.s32 v62;
	v28 =	vadd.f32 $5.000000000e-01, v28  }
0x207: {  	v27 =	vadd.s32 v4, v5;
	[tilespmem:v1+s14+$0x0] =	vst.idx.add.s32.msk $0xffff, v52;
	v30 =	vcvt.f32.s32 v29;
	v5 =	vmul.f32 $6.400000000e+01, v61  }
0x208: {  	v26 =	vadd.s32 v4, v58;
	v31 =	vld.idx.msk [tilespmem:v38+s17+$0x0], $0xffff;
	[tilespmem:v60+s19+$0x0] =	vst.idx.msk $0xffff, v61;
	v33 =	vcvt.f32.s32 v20;
	v28 =	vtrunc.f32 v28  }
0x209: {  	[tilespmem:v43+s22+$0x0] =	vst.idx.msk $0xffff, v56;
	v20 =	vadd.s32 v0, v46;
	v34 =	vld.idx.msk [tilespmem:v39+s17+$0x0], $0xffff;
	v37 =	vadd.f32 $5.000000000e-01, v5;
	v35 =	vcvt.f32.s32 v28  }
.LBB2_13:
0x20a: {  	[tilespmem:v22+s14+$0x0] =	vst.idx.add.s32.msk $0xffff, v52  }
0x20b: {  	[tilespmem:v17+s14+$0x0] =	vst.idx.add.s32.msk $0xffff, v52  }
0x20c: {  	v1 =	vor.u32 s18, v3;
	s28 =	sadd.s32 $0x1, s18;
	v56 =	vadd.s32 s8, v32;
	v4 =	vld [tilespmem:$0x1FFF0];
	v5 =	vadd.s32 s21, v33  }
0x20d: {  	s8 =	sadd.s32 $0x2, s18;
	v0 =	vld [tilespmem:$0x1FFE0];
	v28 =	vtrunc.f32 v37;
	s23 =	scvt.s32.f32 s28;
	v38 =	vadd.s32 s28, v2;
	v39 =	vor.u32 s28, v3  }
0x20e: {  	[tilespmem:v26+s22+$0x0] =	vst.idx.msk $0xffff, v11;
	v40 =	vadd.s32 s11, v30;
	s11 =	smov.u32 s28;
	s29 =	scvt.s32.f32 s8;
	v42 =	vadd.s32 s8, v2;
	v43 =	vor.u32 s8, v3;
	s28 =	sadd.s32 $0x3, s18  }
0x20f: {  	[tilespmem:v27+s22+$0x0] =	vst.idx.msk $0xffff, v23;
	s21 =	sadd.s32 $0x5, s18;
	v22 =	vcvt.f32.s32 v28;
	v28 =	vadd.s32 s30, v35;
	v57 =	vadd.s32 s28, v2  }
0x210: {  	[tilespmem:v19+s14+$0x0] =	vst.idx.add.s32.msk $0xffff, v52;
	v58 =	vor.u32 s28, v3;
	s30 =	scvt.s32.f32 s21;
	v41 =	vmul.f32 s23, v7;
	v27 =	vmul.f32 s29, v7;
	s29 =	sadd.s32 $0x4, s18  }
0x211: {  	v11 =	vmovc v21;
	v21 =	vadd.s32 s18, v22;
	v44 =	vadd.s32 s29, v2;
	v45 =	vor.u32 s29, v3;
	v19 =	vld.idx.msk [tilespmem:v1+s16+$0x0], $0xffff  }
0x212: {  	v61 =	vmul.f32 s30, v7;
	v17 =	vadd.s32 v4, v28;
	v26 =	vadd.s32 v0, v22;
	[tilespmem:v20+s14+$0x0] =	vst.idx.add.s32.msk $0xffff, v52  }
0x213: {  	s23 =	scvt.s32.f32 s28;
	v23 =	vadd.s32 v4, v36;
	v46 =	vadd.s32 v4, v12;
	v12 =	vor.u32 s21, v3;
	v20 =	vld.idx.msk [tilespmem:v39+s16+$0x0], $0xffff  }
0x214: {  	v28 =	vadd.s32 v0, v25;
	v25 =	vadd.s32 v0, v35;
	v5 =	vadd.s32 v4, v5  }
0x215: {  	s24 =	scvt.s32.f32 s29;
	v15 =	vadd.s32 v4, v15;
	v29 =	vadd.s32 v0, v33;
	v59 =	vmul.f32 s23, v7;
	s23 =	sadd.s32 $0x6, s18;
	v60 =	vld.idx.msk [tilespmem:v43+s16+$0x0], $0xffff  }
0x216: {  	v22 =	vadd.s32 v0, v10;
	v49 =	vor.u32 s23, v3;
	v47 =	vld.idx.msk [tilespmem:v58+s16+$0x0], $0xffff;
	v24 =	vadd.f32 v19, v24  }
0x217: {  	[tilespmem:v17+s22+$0x0] =	vst.idx.msk $0xffff, v34;
	v17 =	vadd.s32 v0, v9;
	v9 =	vmul.f32 s24, v7;
	v19 =	vadd.s32 v0, v32;
	s24 =	scvt.s32.f32 s23  }
0x218: {  	s30 =	sadd.s32 $0x7, s18;
	[tilespmem:v23+s22+$0x0] =	vst.idx.msk $0xffff, v31;
	v50 =	vld.idx.msk [tilespmem:v12+s16+$0x0], $0xffff;
	v23 =	vadd.f32 v24, v41;
	v20 =	vadd.f32 v20, v24  }
0x219: {  	v10 =	vadd.s32 s21, v2;
	v32 =	vadd.s32 v4, v56;
	[tilespmem:v5+s22+$0x0] =	vst.idx.msk $0xffff, v18;
	v24 =	vld.idx.msk [tilespmem:v45+s16+$0x0], $0xffff;
	v31 =	vmul.f32 s24, v7;
	s24 =	scvt.s32.f32 s30  }
0x21a: {  	[tilespmem:v26+s14+$0x0] =	vst.idx.add.s32.msk $0xffff, v52;
	v41 =	vor.u32 s30, v3;
	v23 =	vmul.f32 v23, v8;
	v34 =	vadd.f32 v60, v20  }
0x21b: {  	[tilespmem:v25+s14+$0x0] =	vst.idx.add.s32.msk $0xffff, v52;
	v25 =	vadd.f32 v20, v27;
	v27 =	vadd.s32 v4, v21;
	v51 =	vmul.f32 s24, v7  }
0x21c: {  	p0 =	slt.u32 s18, $0x78;
	s18 =	sadd.s32 $0x8, s18;
	v20 =	vadd.s32 v0, v30;
	v18 =	vadd.f32 v34, v59;
	v21 =	vadd.f32 v47, v34  }
0x21d: {  	v48 =	vadd.s32 s23, v2;
	s24 =	scvt.s32.f32 s18;
	v5 =	vmul.f32 v25, v8;
	v25 =	vld.idx.msk [tilespmem:v49+s16+$0x0], $0xffff;
	[tilespmem:v38+s19+$0x0] =	vst.idx.msk $0xffff, v23;
	v23 =	vmul.f32 $6.400000000e+01, v23  }
0x21e: {  	v18 =	vmul.f32 v18, v8;
	v9 =	vadd.f32 v21, v9;
	v24 =	vadd.f32 v24, v21  }
0x21f: {  	v53 =	vadd.f32 $5.000000000e-01, v23;
	v23 =	vld.idx.msk [tilespmem:v1+s17+$0x0], $0xffff;
	[tilespmem:v42+s19+$0x0] =	vst.idx.msk $0xffff, v5;
	v1 =	vmul.f32 $6.400000000e+01, v5;
	v5 =	vmul.f32 s24, v7  }
0x220: {  	v47 =	vld.idx.msk [tilespmem:v41+s16+$0x0], $0xffff;
	v9 =	vmul.f32 v9, v8;
	v37 =	vadd.f32 v24, v61;
	v24 =	vadd.f32 v50, v24  }
0x221: {  	v54 =	vtrunc.f32 v53;
	v1 =	vadd.f32 $5.000000000e-01, v1;
	[tilespmem:v57+s19+$0x0] =	vst.idx.msk $0xffff, v18;
	v18 =	vmul.f32 $6.400000000e+01, v18  }
0x222: {  	v55 =	vmul.f32 v37, v8;
	v31 =	vadd.f32 v24, v31;
	v24 =	vadd.f32 v25, v24  }
0x223: {  	v1 =	vtrunc.f32 v1;
	v18 =	vadd.f32 $5.000000000e-01, v18;
	[tilespmem:v44+s19+$0x0] =	vst.idx.msk $0xffff, v9;
	v9 =	vmul.f32 $6.400000000e+01, v9  }
0x224: {  	v62 =	vadd.s32 s30, v2;
	v35 =	vld.idx.msk [tilespmem:v43+s17+$0x0], $0xffff;
	[tilespmem:v32+s22+$0x0] =	vst.idx.msk $0xffff, v13;
	v32 =	vcvt.f32.s32 v1;
	v31 =	vmul.f32 v31, v8  }
0x225: {  	v56 =	vadd.f32 v24, v51;
	v24 =	vadd.f32 v47, v24;
	v18 =	vtrunc.f32 v18;
	[tilespmem:v10+s19+$0x0] =	vst.idx.msk $0xffff, v55  }
0x226: {  	v25 =	vld.idx.msk [tilespmem:v58+s17+$0x0], $0xffff;
	v57 =	vadd.f32 $5.000000000e-01, v9;
	v10 =	vmul.f32 $6.400000000e+01, v55;
	v9 =	vcvt.f32.s32 v18;
	[tilespmem:v15+s22+$0x0] =	vst.idx.msk $0xffff, v16  }
0x227: {  	v30 =	vadd.s32 s18, v2;
	[tilespmem:v48+s19+$0x0] =	vst.idx.msk $0xffff, v31;
	v31 =	vmul.f32 $6.400000000e+01, v31;
	v58 =	vmul.f32 v56, v8;
	v16 =	vld.idx.msk [tilespmem:v45+s17+$0x0], $0xffff  }
0x228: {  	v5 =	vadd.f32 v24, v5;
	v33 =	vtrunc.f32 v57;
	v59 =	vadd.f32 $5.000000000e-01, v10;
	[tilespmem:v29+s14+$0x0] =	vst.idx.add.s32.msk $0xffff, v52  }
0x229: {  	[tilespmem:v46+s22+$0x0] =	vst.idx.msk $0xffff, v14;
	v18 =	vld.idx.msk [tilespmem:v12+s17+$0x0], $0xffff;
	v10 =	vcvt.f32.s32 v33;
	v15 =	vadd.f32 $5.000000000e-01, v31;
	v34 =	vmul.f32 $6.400000000e+01, v58  }
.Ltmp7:
0x22a: {  	v26 =	vadd.s32 v4, v40;
	[tilespmem:v28+s14+$0x0] =	vst.idx.add.s32.msk $0xffff, v52;
	v5 =	vmul.f32 v5, v8;
	v60 =	vtrunc.f32 v59;
	(pc) =	sbr.rel @p0 .LBB2_13-.Ltmp7, $4  }
0x22b: {  	[tilespmem:v62+s19+$0x0] =	vst.idx.msk $0xffff, v58;
	v33 =	vcvt.f32.s32 v60;
	v61 =	vtrunc.f32 v15;
	v62 =	vadd.f32 $5.000000000e-01, v34  }
0x22c: {  	v21 =	vld.idx.msk [tilespmem:v39+s17+$0x0], $0xffff;
	v12 =	vadd.s32 s28, v9;
	v14 =	vmovc v25;
	[tilespmem:v30+s19+$0x0] =	vst.idx.msk $0xffff, v5;
	v5 =	vmul.f32 $6.400000000e+01, v5;
	v25 =	vcvt.f32.s32 v61  }
0x22d: {  	v31 =	vld.idx.msk [tilespmem:v49+s17+$0x0], $0xffff;
	v15 =	vadd.s32 s29, v10;
	v30 =	vcvt.f32.s32 v54;
	v1 =	vtrunc.f32 v62  }
0x22e: {  	v13 =	vmovc v35;
	v34 =	vld.idx.msk [tilespmem:v41+s17+$0x0], $0xffff;
	v37 =	vadd.f32 $5.000000000e-01, v5;
	v35 =	vcvt.f32.s32 v1;
	v36 =	vadd.s32 s23, v25  }
0x22f: {  	_ =	sdelay $0x3  }
0x230: {  	[tilespmem:v22+s14+$0x0] =	vst.idx.add.s32.msk $0xffff, v52  }
0x231: {  	[tilespmem:v17+s14+$0x0] =	vst.idx.add.s32.msk $0xffff, v52  }
0x232: {  	v4 =	vld [tilespmem:$0x1FFF0];
	_ =	sdelay $0x1  }
0x233: {  	[tilespmem:v26+s22+$0x0] =	vst.idx.msk $0xffff, v11  }
0x234: {  	v0 =	vld [tilespmem:$0x1FFE0]  }
0x235: {  	v5 =	vadd.s32 s30, v35  }
0x236: {  	v1 =	vtrunc.f32 v37;
	v5 =	vadd.s32 v4, v5  }
0x237: {  	v8 =	vadd.s32 s21, v33;
	v1 =	vcvt.f32.s32 v1;
	v7 =	vadd.s32 v4, v36  }
0x238: {  	[tilespmem:v19+s14+$0x0] =	vst.idx.add.s32.msk $0xffff, v52;
	v8 =	vadd.s32 v4, v8  }
0x239: {  	[tilespmem:v27+s22+$0x0] =	vst.idx.msk $0xffff, v23;
	v1 =	vadd.s32 v0, v1  }
0x23a: {  	[tilespmem:v20+s14+$0x0] =	vst.idx.add.s32.msk $0xffff, v52;
	v15 =	vadd.s32 v4, v15  }
0x23b: {  	v12 =	vadd.s32 v4, v12;
	[tilespmem:v5+s22+$0x0] =	vst.idx.msk $0xffff, v34  }
0x23c: {  	v11 =	vadd.s32 v0, v35;
	[tilespmem:v7+s22+$0x0] =	vst.idx.msk $0xffff, v31  }
0x23d: {  	v5 =	vadd.s32 s8, v32;
	v7 =	vadd.s32 v0, v33;
	[tilespmem:v8+s22+$0x0] =	vst.idx.msk $0xffff, v18  }
0x23e: {  	[tilespmem:v1+s14+$0x0] =	vst.idx.add.s32.msk $0xffff, v52;
	v1 =	vadd.s32 v4, v5  }
0x23f: {  	[tilespmem:v15+s22+$0x0] =	vst.idx.msk $0xffff, v16;
	v5 =	vadd.s32 v0, v25  }
0x240: {  	v8 =	vadd.s32 v0, v10;
	v10 =	vadd.s32 s11, v30;
	[tilespmem:v12+s22+$0x0] =	vst.idx.msk $0xffff, v14  }
0x241: {  	[tilespmem:v11+s14+$0x0] =	vst.idx.add.s32.msk $0xffff, v52;
	v10 =	vadd.s32 v4, v10  }
0x242: {  	v9 =	vadd.s32 v0, v9;
	[tilespmem:v7+s14+$0x0] =	vst.idx.add.s32.msk $0xffff, v52  }
0x243: {  	[tilespmem:v1+s22+$0x0] =	vst.idx.msk $0xffff, v13;
	v1 =	vadd.s32 v0, v32  }
0x244: {  	s30 =	simm.s32 $0x0;
	[tilespmem:v5+s14+$0x0] =	vst.idx.add.s32.msk $0xffff, v52;
	v5 =	vadd.s32 v0, v30  }
0x245: {  	[tilespmem:v8+s14+$0x0] =	vst.idx.add.s32.msk $0xffff, v52;
	v7 =	vadd.s32 s30, v0  }
0x246: {  	v8 =	vadd.s32 s0, v0;
	[tilespmem:v10+s22+$0x0] =	vst.idx.msk $0xffff, v21  }
0x247: {  	[tilespmem:v9+s14+$0x0] =	vst.idx.add.s32.msk $0xffff, v52  }
0x248: {  	v9 =	vadd.s32 s2, v0;
	[tilespmem:v1+s14+$0x0] =	vst.idx.add.s32.msk $0xffff, v52  }
0x249: {  	[tilespmem:v5+s14+$0x0] =	vst.idx.add.s32.msk $0xffff, v52  }
0x24a: {  	v1 =	vadd.s32 s6, v0;
	v10 =	vld.idx.msk [tilespmem:v7+s14+$0x0], $0xffff  }
0x24b: {  	v5 =	vadd.s32 s7, v0;
	v12 =	vld.idx.msk [tilespmem:v8+s14+$0x0], $0xffff  }
0x24c: {  	v11 =	vadd.s32 s9, v0  }
0x24d: {  	v13 =	vadd.s32 s10, v0;
	v14 =	vld.idx.msk [tilespmem:v9+s14+$0x0], $0xffff  }
0x24e: {  	v15 =	vadd.s32 s13, v0  }
0x24f: {  	v16 =	vld.idx.msk [tilespmem:v1+s14+$0x0], $0xffff;
	v10 =	vadd.s32 v6, v10  }
0x250: {  	v17 =	vld.idx.msk [tilespmem:v5+s14+$0x0], $0xffff;
	v12 =	vadd.s32 v10, v12;
	v20 =	vadd.s32 $0x1, v10  }
0x251: {  	v18 =	vld.idx.msk [tilespmem:v11+s14+$0x0], $0xffff;
	v21 =	vadd.s32 v2, v10;
	v43 =	vadd.s32 v3, v10;
	v57 =	vadd.s32 s0, v10  }
0x252: {  	v6 =	vld.idx.msk [tilespmem:v13+s14+$0x0], $0xffff;
	v14 =	vadd.s32 v12, v14;
	vm0 =	vlt.s32 v20, $0x7F;
	v22 =	vadd.s32 $0x1, v12  }
0x253: {  	v19 =	vld.idx.msk [tilespmem:v15+s14+$0x0], $0xffff;
	v54 =	vadd.s32 v2, v12;
	v44 =	vadd.s32 v3, v12;
	v12 =	vadd.s32 s2, v12  }
0x254: {  	vm1 =	vlt.s32 v22, $0x7F;
	v23 =	vadd.s32 $0x1, v14;
	v16 =	vadd.s32 v14, v16  }
0x255: {  	[tilespmem:v15+s14+$0x0] =	vst.idx.msk $0xffff, v63;
	v15 =	vnsel vm0, $0x7F, v20;
	v55 =	vadd.s32 v2, v14;
	v17 =	vadd.s32 v16, v17  }
0x256: {  	v45 =	vadd.s32 v3, v14;
	v47 =	vadd.s32 s6, v14;
	v18 =	vadd.s32 v17, v18  }
0x257: {  	[tilespmem:v7+s14+$0x0] =	vst.idx.msk $0xffff, v63;
	v0 =	vadd.s32 v4, v12;
	vm2 =	vlt.s32 v23, $0x7F;
	v25 =	vadd.s32 v18, v6  }
0x258: {  	[tilespmem:v9+s14+$0x0] =	vst.idx.msk $0xffff, v63;
	v51 =	vadd.s32 v2, v15;
	v9 =	vadd.s32 $0x1, v18;
	v6 =	vadd.s32 v25, v19  }
0x259: {  	[tilespmem:v1+s14+$0x0] =	vst.idx.msk $0xffff, v63;
	vm5 =	vlt.s32 v9, $0x7F;
	v1 =	vadd.s32 $0x1, v25;
	v19 =	vadd.s32 $0x1, v6  }
0x25a: {  	[tilespmem:v5+s14+$0x0] =	vst.idx.msk $0xffff, v63;
	v27 =	vadd.s32 v2, v25;
	v5 =	vnsel vm5, $0x7F, v9;
	vm6 =	vlt.s32 v19, $0x7F  }
0x25b: {  	[tilespmem:v11+s14+$0x0] =	vst.idx.msk $0xffff, v63;
	vm5 =	vlt.s32 v1, $0x7F;
	v28 =	vadd.s32 v2, v6;
	v9 =	vnsel vm6, $0x7F, v19  }
0x25c: {  	[tilespmem:v13+s14+$0x0] =	vst.idx.msk $0xffff, v63;
	v20 =	vnsel vm1, $0x7F, v22;
	v1 =	vnsel vm5, $0x7F, v1;
	v11 =	vadd.s32 v2, v9  }
0x25d: {  	v40 =	vadd.s32 v3, v15;
	v13 =	vnsel vm2, $0x7F, v23;
	v21 =	vld.idx.msk [tilespmem:v21+s19+$0x0], $0xffff;
	v23 =	vadd.s32 v2, v1  }
0x25e: {  	s12 =	sadd.f32 s12, s12;
	v24 =	vadd.s32 $0x1, v16;
	v7 =	vadd.s32 $0x1, v17;
	v31 =	vadd.s32 v2, v18;
	v14 =	vld.idx.msk [tilespmem:v51+s19+$0x0], $0xffff  }
0x25f: {  	s4 =	sadd.f32 s4, s4;
	v29 =	vadd.s32 v2, v20;
	v53 =	vadd.s32 v2, v17;
	vm4 =	vlt.s32 v7, $0x7F;
	v15 =	vld.idx.msk [tilespmem:v27+s19+$0x0], $0xffff  }
0x260: {  	s3 =	sadd.f32 s3, s3;
	[tilespmem:v8+s14+$0x0] =	vst.idx.msk $0xffff, v63;
	vm3 =	vlt.s32 v24, $0x7F;
	v7 =	vnsel vm4, $0x7F, v7;
	v22 =	vadd.s32 v2, v5;
	v28 =	vld.idx.msk [tilespmem:v28+s19+$0x0], $0xffff  }
0x261: {  	s1 =	sadd.f32 s1, s1;
	v52 =	vadd.s32 v2, v16;
	v19 =	vnsel vm3, $0x7F, v24;
	v24 =	vadd.s32 v2, v7;
	v11 =	vld.idx.msk [tilespmem:v11+s19+$0x0], $0xffff  }
0x262: {  	s18 =	sadd.f32 s26, s26;
	v20 =	vadd.s32 v3, v20;
	v41 =	vadd.s32 v3, v16;
	v16 =	vadd.s32 s7, v16;
	v23 =	vld.idx.msk [tilespmem:v23+s19+$0x0], $0xffff  }
0x263: {  	s21 =	sadd.f32 s25, s25;
	v30 =	vadd.s32 v2, v13;
	v38 =	vadd.s32 v3, v25;
	v8 =	vadd.s32 s13, v25;
	v25 =	vld.idx.msk [tilespmem:v31+s19+$0x0], $0xffff  }
0x264: {  	s4 =	sadd.f32 $1.000000000e+00, s4;
	s8 =	scvt.s32.f32 s30;
	v13 =	vadd.s32 v3, v13;
	v42 =	vadd.s32 v3, v17;
	v26 =	vadd.s32 v2, v19;
	v31 =	vld.idx.msk [tilespmem:v53+s19+$0x0], $0xffff  }
0x265: {  	s3 =	sadd.f32 $1.000000000e+00, s3;
	v17 =	vadd.s32 s9, v17;
	v10 =	vadd.s32 v4, v16;
	v56 =	vadd.s32 v3, v7;
	v7 =	vld.idx.msk [tilespmem:v22+s19+$0x0], $0xffff  }
0x266: {  	s11 =	sadd.f32 s8, s8;
	v39 =	vadd.s32 v3, v18;
	v18 =	vadd.s32 s10, v18;
	v22 =	vld.idx.msk [tilespmem:v24+s19+$0x0], $0xffff;
	v11 =	vsub.f32 v11, v28  }
0x267: {  	s1 =	sadd.f32 $1.000000000e+00, s1;
	v49 =	vadd.s32 v4, v17;
	v50 =	vadd.s32 v4, v8;
	v29 =	vld.idx.msk [tilespmem:v29+s19+$0x0], $0xffff;
	v23 =	vsub.f32 v23, v15  }
0x268: {  	s3 =	smul.f32 $7.812500000e-03, s3;
	s11 =	sadd.f32 $1.000000000e+00, s11;
	v5 =	vadd.s32 v3, v5;
	v33 =	vld.idx.msk [tilespmem:v52+s19+$0x0], $0xffff;
	v9 =	vadd.s32 v3, v9;
	(erf) = vrcp.f32 v11  }
0x269: {  	s23 =	sadd.f32 $1.000000000e+00, s18;
	s1 =	smul.f32 $7.812500000e-03, s1;
	v27 =	vadd.s32 s31, v6;
	v24 =	vadd.s32 v3, v6;
	v26 =	vld.idx.msk [tilespmem:v26+s19+$0x0], $0xffff;
	(erf) = vrcp.f32 v23  }
0x26a: {  	s11 =	smul.f32 $7.812500000e-03, s11;
	s24 =	rddreg [dreg:$0x12];
	v30 =	vld.idx.msk [tilespmem:v30+s19+$0x0], $0xffff;
	v58 =	vsub.f32 s3, v15;
	v15 =	vadd.s32 v4, v27;
	v27 =	vsub.f32 v7, v25  }
0x26b: {  	s2 =	sadd.f32 s24, s24;
	v1 =	vadd.s32 v3, v1;
	v17 =	vsub.f32 v22, v31;
	vm5 =	vgt.f32 v11, $0.0e+00;
	v11 =	vld.idx.msk [tilespmem:v55+s19+$0x0], $0xffff  }
0x26c: {  	s28 =	sadd.f32 $1.000000000e+00, s12;
	s0 =	smul.f32 $7.812500000e-03, s23;
	v46 =	vsub.f32 s11, v21;
	v59 =	vsub.f32 s1, v25;
	v25 =	vld.idx.msk [tilespmem:v54+s19+$0x0], $0xffff;
	(erf) = vrcp.f32 v27  }
0x26d: {  	s4 =	smul.f32 $7.812500000e-03, s4;
	s26 =	sadd.f32 $1.000000000e+00, s2;
	v19 =	vadd.s32 v3, v19;
	v21 =	vsub.f32 v14, v21;
	v5 =	vld.idx.msk [tilespmem:v5+s17+$0x0], $0xffff;
	(erf) = vrcp.f32 v17  }
0x26e: {  	s25 =	sadd.f32 $1.000000000e+00, s21;
	s30 =	smul.f32 $7.812500000e-03, s28;
	v51 =	vadd.s32 v4, v18;
	v18 =	vsub.f32 s0, v31;
	v31 =	vld.idx.msk [tilespmem:v9+s17+$0x0], $0xffff;
	v14 =	vsub.f32 v26, v33  }
0x26f: {  	s29 =	smul.f32 $7.812500000e-03, s26;
	vm0 =	vgt.f32 v21, $0.0e+00;
	v22 =	vld.idx.msk [tilespmem:v24+s17+$0x0], $0xffff;
	v28 =	vsub.f32 s4, v28;
	vm3 =	vgt.f32 v17, $0.0e+00  }
0x270: {  	v1 =	vld.idx.msk [tilespmem:v1+s17+$0x0], $0xffff;
	s3 =	smul.f32 $7.812500000e-03, s25;
	vm2 =	vgt.f32 v14, $0.0e+00;
	(erf) = vrcp.f32 v21;
	v16 =	vsub.f32 v30, v11  }
0x271: {  	v60 =	vsub.f32 s29, v11;
	v11 =	vsub.f32 v29, v25;
	(erf) = vrcp.f32 v14;
	v14 =	vld.idx.msk [tilespmem:v38+s17+$0x0], $0xffff;
	v17 =	vpop (erf)  }
0x272: {  	v26 =	vsub.f32 s3, v33;
	v48 =	vsub.f32 s30, v25;
	v25 =	vld.idx.msk [tilespmem:v19+s17+$0x0], $0xffff;
	(erf) = vrcp.f32 v16;
	v19 =	vpop (erf)  }
0x273: {  	vm1 =	vgt.f32 v16, $0.0e+00;
	v16 =	vld.idx.msk [tilespmem:v39+s17+$0x0], $0xffff;
	(erf) = vrcp.f32 v11;
	v19 =	vmul.f32 v19, v58  }
0x274: {  	vm6 =	vgt.f32 v23, $0.0e+00;
	vm7 =	vgt.f32 v27, $0.0e+00;
	v21 =	vsub.f32 v31, v22  }
0x275: {  	v32 =	vld.idx.msk [tilespmem:v40+s17+$0x0], $0xffff;
	vm4 =	vgt.f32 v11, $0.0e+00;
	v17 =	vmul.f32 v17, v28;
	v24 =	vpop (erf);
	v19 =	vmax.f32 v19, $0.0e+00  }
0x276: {  	v23 =	vld.idx.msk [tilespmem:v56+s17+$0x0], $0xffff;
	v11 =	vadd.s32 v4, v47;
	v28 =	vsub.f32 v1, v14;
	v1 =	vpop (erf);
	v19 =	vmin.f32 v19, $1.000000000e+00  }
0x277: {  	v27 =	vld.idx.msk [tilespmem:v13+s17+$0x0], $0xffff;
	v4 =	vadd.s32 v4, v57;
	v17 =	vmax.f32 v17, $0.0e+00;
	v1 =	vmul.f32 v1, v18  }
0x278: {  	v29 =	vld.idx.msk [tilespmem:v20+s17+$0x0], $0xffff;
	v20 =	vmul.f32 v24, v59;
	v31 =	vsub.f32 v5, v16;
	v17 =	vmin.f32 v17, $1.000000000e+00  }
0x279: {  	v18 =	vld.idx.msk [tilespmem:v41+s17+$0x0], $0xffff;
	v24 =	vnsel vm5, $0x0, v17;
	v30 =	vnsel vm6, $0x0, v19;
	v1 =	vmax.f32 v1, $0.0e+00;
	v19 =	vpop (erf)  }
0x27a: {  	v17 =	vld.idx.msk [tilespmem:v42+s17+$0x0], $0xffff;
	v20 =	vmax.f32 v20, $0.0e+00;
	v24 =	vmul.f32 v24, v21;
	v21 =	vmul.f32 v19, v46;
	v5 =	vpop (erf)  }
0x27b: {  	v20 =	vmin.f32 v20, $1.000000000e+00;
	v34 =	vmin.f32 v1, $1.000000000e+00;
	v19 =	vld.idx.msk [tilespmem:v45+s17+$0x0], $0xffff;
	v5 =	vmul.f32 v5, v26;
	v61 =	vpop (erf)  }
0x27c: {  	v26 =	vnsel vm7, $0x0, v20;
	v20 =	vld.idx.msk [tilespmem:v44+s17+$0x0], $0xffff;
	v62 =	vmax.f32 v21, $0.0e+00;
	v35 =	vmul.f32 v61, v60;
	v1 =	vpop (erf)  }
0x27d: {  	v21 =	vld.idx.msk [tilespmem:v43+s17+$0x0], $0xffff;
	v33 =	vmin.f32 v62, $1.000000000e+00;
	v36 =	vmul.f32 v1, v48;
	v37 =	vmax.f32 v5, $0.0e+00  }
.LBB2_15:
0x27e: {  	[tilespmem:$0x1FFB0] =	vst v0;
	v0 =	vld [tilespmem:$0x1FFE0];
	_ =	sdelay $0x2  }
0x27f: {  	v61 =	vmin.f32 v37, $1.000000000e+00  }
0x280: {  	v23 =	vsub.f32 v23, v17;
	v33 =	vnsel vm0, $0x0, v33;
	v5 =	vmax.f32 v35, $0.0e+00  }
0x281: {  	s0 =	sadd.s32 $0x1, s31;
	v36 =	vmax.f32 v36, $0.0e+00;
	v35 =	vnsel vm2, $0x0, v61;
	v1 =	vadd.s32 s31, v0  }
0x282: {  	s1 =	sadd.s32 $0x2, s31;
	s3 =	scvt.s32.f32 s0;
	v5 =	vmin.f32 v5, $1.000000000e+00;
	v36 =	vmin.f32 v36, $1.000000000e+00;
	v62 =	vadd.s32 s0, v0  }
0x283: {  	s2 =	sadd.s32 $0x3, s31;
	v36 =	vnsel vm4, $0x0, v36;
	v5 =	vnsel vm1, $0x0, v5;
	v38 =	vadd.s32 s1, v0  }
0x284: {  	s7 =	sadd.f32 s3, s3;
	s3 =	sadd.s32 $0x4, s31;
	v40 =	vsub.f32 v27, v19;
	v41 =	vsub.f32 v25, v18;
	v39 =	vadd.s32 s2, v0  }
0x285: {  	s6 =	sadd.s32 $0x5, s31;
	v32 =	vsub.f32 v32, v21;
	v43 =	vsub.f32 v29, v20;
	v42 =	vadd.s32 s3, v0  }
0x286: {  	s10 =	sadd.s32 $0x7, s31;
	v27 =	vnsel vm3, $0x0, v34;
	v25 =	vmul.f32 v30, v28;
	v44 =	vld.idx.msk [tilespmem:v1+s14+$0x0], $0xffff;
	[tilespmem:v1+s14+$0x0] =	vst.idx.msk $0xffff, v63;
	v1 =	vadd.s32 s6, v0  }
0x287: {  	s23 =	sadd.s32 $0x6, s31;
	v28 =	vmul.f32 v26, v31;
	v53 =	vadd.s32 s10, v0;
	v27 =	vmul.f32 v27, v23;
	v48 =	vld.idx.msk [tilespmem:v62+s14+$0x0], $0xffff  }
0x288: {  	v52 =	vadd.s32 s23, v0;
	v29 =	vmul.f32 v5, v40;
	v30 =	vmul.f32 v35, v41;
	v45 =	vld.idx.msk [tilespmem:v38+s14+$0x0], $0xffff  }
0x289: {  	v31 =	vmul.f32 v33, v32;
	v32 =	vmul.f32 v36, v43;
	v14 =	vadd.f32 v25, v14;
	v46 =	vld.idx.msk [tilespmem:v39+s14+$0x0], $0xffff  }
0x28a: {  	v16 =	vadd.f32 v28, v16;
	v19 =	vadd.f32 v29, v19;
	[tilespmem:v38+s14+$0x0] =	vst.idx.msk $0xffff, v63;
	v26 =	vld.idx.msk [tilespmem:v42+s14+$0x0], $0xffff  }
0x28b: {  	v21 =	vadd.f32 v31, v21;
	[tilespmem:v39+s14+$0x0] =	vst.idx.msk $0xffff, v63;
	v5 =	vld.idx.msk [tilespmem:v1+s14+$0x0], $0xffff;
	v23 =	vadd.s32 v6, v44  }
0x28c: {  	v55 =	vld.idx.msk [tilespmem:v53+s14+$0x0], $0xffff;
	v6 =	vadd.f32 v24, v22;
	v54 =	vadd.s32 $0x1, v23;
	v24 =	vadd.s32 v23, v48  }
0x28d: {  	[tilespmem:v53+s14+$0x0] =	vst.idx.msk $0xffff, v63;
	v22 =	vadd.s32 v2, v23;
	vm0 =	vlt.s32 v54, $0x7F;
	v34 =	vadd.s32 v24, v45  }
0x28e: {  	[tilespmem:v1+s14+$0x0] =	vst.idx.msk $0xffff, v63;
	v1 =	vld.idx.msk [tilespmem:v52+s14+$0x0], $0xffff;
	v57 =	vadd.s32 $0x1, v34;
	v38 =	vadd.s32 v34, v46;
	v33 =	vnsel vm0, $0x7F, v54  }
0x28f: {  	[tilespmem:v15+s22+$0x0] =	vst.idx.msk $0xffff, v6;
	vm2 =	vlt.s32 v57, $0x7F;
	v15 =	vadd.s32 $0x1, v38;
	v39 =	vadd.s32 v38, v26  }
0x290: {  	v53 =	vadd.s32 v2, v38;
	v26 =	vadd.s32 $0x1, v39;
	v5 =	vadd.s32 v39, v5  }
0x291: {  	v37 =	vnsel vm2, $0x7F, v57;
	v54 =	vadd.s32 v2, v39;
	v7 =	vadd.s32 v3, v39  }
0x292: {  	v29 =	vadd.s32 s6, v39;
	v39 =	vadd.s32 s0, v23;
	vm4 =	vlt.s32 v26, $0x7F  }
0x293: {  	v0 =	vmovc v11;
	v11 =	vmovc v50;
	v58 =	vadd.s32 $0x1, v5;
	v1 =	vadd.s32 v5, v1;
	v50 =	vadd.s32 v2, v37  }
0x294: {  	v13 =	vmovc v51;
	v51 =	vadd.s32 v2, v5;
	vm5 =	vlt.s32 v58, $0x7F;
	v59 =	vadd.s32 $0x1, v1  }
0x295: {  	v6 =	vadd.s32 v1, v55;
	v26 =	vnsel vm4, $0x7F, v26;
	v47 =	vadd.s32 v2, v1  }
0x296: {  	s4 =	scvt.s32.f32 s1;
	[tilespmem:v42+s14+$0x0] =	vst.idx.msk $0xffff, v63;
	v35 =	vnsel vm5, $0x7F, v58;
	vm5 =	vlt.s32 v59, $0x7F;
	v60 =	vadd.s32 $0x1, v6  }
0x297: {  	v22 =	vld.idx.msk [tilespmem:v22+s19+$0x0], $0xffff;
	v43 =	vadd.s32 v2, v26;
	v48 =	vadd.s32 v2, v6;
	vm4 =	vlt.s32 v60, $0x7F  }
0x298: {  	s4 =	sadd.f32 s4, s4;
	v57 =	vadd.s32 v3, v26;
	v26 =	vadd.s32 v3, v23;
	v23 =	vld.idx.msk [tilespmem:v53+s19+$0x0], $0xffff;
	v40 =	vnsel vm4, $0x7F, v60  }
0x299: {  	s8 =	scvt.s32.f32 s2;
	[tilespmem:v62+s14+$0x0] =	vst.idx.msk $0xffff, v63;
	vm3 =	vlt.s32 v15, $0x7F;
	v41 =	vnsel vm5, $0x7F, v59;
	v31 =	vld.idx.msk [tilespmem:v54+s19+$0x0], $0xffff;
	v61 =	vadd.s32 v2, v40  }
0x29a: {  	s30 =	scvt.s32.f32 s31;
	s21 =	sadd.f32 $1.000000000e+00, s4;
	[tilespmem:v52+s14+$0x0] =	vst.idx.msk $0xffff, v63;
	v15 =	vnsel vm3, $0x7F, v15;
	v63 =	vadd.s32 v2, v41;
	v25 =	vld.idx.msk [tilespmem:v50+s19+$0x0], $0xffff  }
0x29b: {  	s13 =	scvt.s32.f32 s23;
	s11 =	sadd.f32 s8, s8;
	v17 =	vadd.f32 v27, v17;
	v56 =	vadd.s32 $0x1, v24;
	v46 =	vadd.s32 v2, v15;
	v27 =	vld.idx.msk [tilespmem:v51+s19+$0x0], $0xffff  }
0x29c: {  	s25 =	smul.f32 $7.812500000e-03, s21;
	s21 =	sadd.f32 s30, s30;
	v18 =	vadd.f32 v30, v18;
	v20 =	vadd.f32 v32, v20;
	vm1 =	vlt.s32 v56, $0x7F;
	v47 =	vld.idx.msk [tilespmem:v47+s19+$0x0], $0xffff  }
0x29d: {  	v12 =	vmovc v10;
	s18 =	scvt.s32.f32 s10;
	s13 =	sadd.f32 s13, s13;
	v36 =	vnsel vm1, $0x7F, v56;
	v58 =	vadd.s32 v3, v15;
	v62 =	vadd.s32 v2, v35;
	v15 =	vld.idx.msk [tilespmem:v48+s19+$0x0], $0xffff  }
0x29e: {  	p0 =	slt.u32 s31, $0x38;
	v10 =	vmovc v49;
	s21 =	sadd.f32 $1.000000000e+00, s21;
	v52 =	vadd.s32 v2, v33;
	v56 =	vadd.s32 v2, v34;
	v30 =	vadd.s32 s3, v38;
	v42 =	vld.idx.msk [tilespmem:v61+s19+$0x0], $0xffff  }
0x29f: {  	s18 =	sadd.f32 s18, s18;
	s9 =	scvt.s32.f32 s3;
	s31 =	sadd.s32 $0x8, s31;
	v49 =	vadd.s32 v2, v36;
	v36 =	vadd.s32 v3, v36;
	v37 =	vadd.s32 v3, v37;
	v45 =	vld.idx.msk [tilespmem:v63+s19+$0x0], $0xffff  }
0x2a0: {  	s13 =	sadd.f32 $1.000000000e+00, s13;
	s21 =	smul.f32 $7.812500000e-03, s21;
	v55 =	vadd.s32 v2, v24;
	v9 =	vadd.s32 s31, v6;
	v35 =	vadd.s32 v3, v35;
	v46 =	vld.idx.msk [tilespmem:v46+s19+$0x0], $0xffff  }
0x2a1: {  	s11 =	sadd.f32 $1.000000000e+00, s11;
	v59 =	vadd.s32 v3, v1;
	v1 =	vadd.s32 s10, v1;
	v41 =	vadd.s32 v3, v41;
	v43 =	vld.idx.msk [tilespmem:v43+s19+$0x0], $0xffff  }
0x2a2: {  	s9 =	sadd.f32 s9, s9;
	s13 =	smul.f32 $7.812500000e-03, s13;
	v60 =	vadd.s32 v3, v6;
	v40 =	vadd.s32 v3, v40;
	v8 =	vsub.f32 s21, v22;
	v44 =	vld.idx.msk [tilespmem:v62+s19+$0x0], $0xffff  }
0x2a3: {  	s18 =	sadd.f32 $1.000000000e+00, s18;
	v48 =	vadd.s32 v3, v34;
	[tilespmem:v13+s22+$0x0] =	vst.idx.msk $0xffff, v16;
	v16 =	vld.idx.msk [tilespmem:v56+s19+$0x0], $0xffff;
	v54 =	vsub.f32 v42, v15  }
0x2a4: {  	s28 =	smul.f32 $7.812500000e-03, s11;
	s26 =	sadd.f32 $1.000000000e+00, s9;
	v62 =	vadd.s32 v3, v33;
	v42 =	vsub.f32 v45, v47;
	v45 =	vsub.f32 s13, v47;
	v47 =	vld [tilespmem:$0x1FFF0]  }
0x2a5: {  	s12 =	scvt.s32.f32 s6;
	s18 =	smul.f32 $7.812500000e-03, s18;
	v34 =	vadd.s32 s2, v34;
	v33 =	vadd.s32 v3, v24;
	v24 =	vadd.s32 s1, v24;
	[tilespmem:v11+s22+$0x0] =	vst.idx.msk $0xffff, v14;
	v14 =	vld.idx.msk [tilespmem:v52+s19+$0x0], $0xffff  }
0x2a6: {  	s29 =	smul.f32 $7.812500000e-03, s26;
	v56 =	vsub.f32 s28, v23;
	v63 =	vadd.s32 v3, v38;
	v61 =	vadd.s32 v3, v5  }
0x2a7: {  	s12 =	sadd.f32 s12, s12;
	[tilespmem:v12+s22+$0x0] =	vst.idx.msk $0xffff, v18;
	v13 =	vsub.f32 v46, v23;
	v38 =	vsub.f32 s18, v15;
	(erf) = vrcp.f32 v54  }
0x2a8: {  	v28 =	vld.idx.msk [tilespmem:v49+s19+$0x0], $0xffff;
	[tilespmem:v10+s22+$0x0] =	vst.idx.msk $0xffff, v17;
	v5 =	vadd.s32 s23, v5;
	v17 =	vsub.f32 v43, v31;
	v31 =	vsub.f32 s29, v31  }
0x2a9: {  	s12 =	sadd.f32 $1.000000000e+00, s12;
	[tilespmem:v0+s22+$0x0] =	vst.idx.msk $0xffff, v19;
	v0 =	vld [tilespmem:$0x1FFB0];
	(erf) = vrcp.f32 v42;
	v15 =	vadd.s32 v47, v9;
	v9 =	vsub.f32 v44, v27  }
0x2aa: {  	v11 =	vsub.f32 v25, v16;
	v18 =	vsub.f32 v14, v22;
	v50 =	vadd.s32 v47, v1;
	v1 =	vld.idx.msk [tilespmem:v55+s19+$0x0], $0xffff  }
0x2ab: {  	s12 =	smul.f32 $7.812500000e-03, s12;
	v23 =	vld.idx.msk [tilespmem:v57+s17+$0x0], $0xffff;
	v57 =	vsub.f32 s25, v16;
	vm2 =	vgt.f32 v13, $0.0e+00;
	(erf) = vrcp.f32 v9  }
0x2ac: {  	vm3 =	vgt.f32 v17, $0.0e+00;
	v14 =	vld.idx.msk [tilespmem:v59+s17+$0x0], $0xffff;
	vm1 =	vgt.f32 v11, $0.0e+00;
	vm0 =	vgt.f32 v18, $0.0e+00  }
0x2ad: {  	vm7 =	vgt.f32 v54, $0.0e+00;
	v54 =	vsub.f32 s12, v27;
	v55 =	vld.idx.msk [tilespmem:v41+s17+$0x0], $0xffff;
	(erf) = vrcp.f32 v17  }
0x2ae: {  	s7 =	sadd.f32 $1.000000000e+00, s7;
	v22 =	vld.idx.msk [tilespmem:v60+s17+$0x0], $0xffff;
	vm6 =	vgt.f32 v42, $0.0e+00;
	v49 =	vadd.s32 v47, v29;
	(erf) = vrcp.f32 v18  }
0x2af: {  	v51 =	vadd.s32 v47, v5;
	v5 =	vld.idx.msk [tilespmem:v40+s17+$0x0], $0xffff;
	v12 =	vsub.f32 v28, v1;
	(erf) = vrcp.f32 v13  }
0x2b0: {  	s24 =	smul.f32 $7.812500000e-03, s7;
	v35 =	vld.idx.msk [tilespmem:v35+s17+$0x0], $0xffff;
	[tilespmem:v4+s22+$0x0] =	vst.idx.msk $0xffff, v21;
	v10 =	vadd.s32 v47, v30;
	vm5 =	vgt.f32 v9, $0.0e+00;
	(erf) = vrcp.f32 v11;
	v9 =	vpop (erf)  }
0x2b1: {  	[tilespmem:v0+s22+$0x0] =	vst.idx.msk $0xffff, v20;
	v0 =	vadd.s32 v47, v24;
	v19 =	vmul.f32 v9, v38;
	(erf) = vrcp.f32 v12  }
0x2b2: {  	v21 =	vld.idx.msk [tilespmem:v26+s17+$0x0], $0xffff;
	v4 =	vadd.s32 v47, v39;
	v1 =	vsub.f32 s24, v1;
	v28 =	vsub.f32 v55, v14;
	v13 =	vpop (erf)  }
0x2b3: {  	v16 =	vld.idx.msk [tilespmem:v61+s17+$0x0], $0xffff;
	vm4 =	vgt.f32 v12, $0.0e+00;
	v18 =	vmul.f32 v13, v45;
	v12 =	vmax.f32 v19, $0.0e+00  }
0x2b4: {  	v17 =	vld.idx.msk [tilespmem:v7+s17+$0x0], $0xffff;
	v11 =	vadd.s32 v47, v34;
	v7 =	vmin.f32 v12, $1.000000000e+00;
	v12 =	vsub.f32 v5, v22;
	v9 =	vpop (erf)  }
0x2b5: {  	v25 =	vld.idx.msk [tilespmem:v58+s17+$0x0], $0xffff;
	v19 =	vmax.f32 v18, $0.0e+00;
	v7 =	vnsel vm7, $0x0, v7;
	v13 =	vmul.f32 v9, v54  }
0x2b6: {  	v18 =	vld.idx.msk [tilespmem:v63+s17+$0x0], $0xffff;
	v63 =	vimm.s32 $0x0;
	v20 =	vmin.f32 v19, $1.000000000e+00;
	v24 =	vmul.f32 v7, v12;
	v5 =	vpop (erf)  }
.Ltmp8:
0x2b7: {  	v32 =	vld.idx.msk [tilespmem:v62+s17+$0x0], $0xffff;
	v30 =	vnsel vm6, $0x0, v20;
	v61 =	vmul.f32 v5, v31;
	v9 =	vpop (erf);
	v62 =	vmax.f32 v13, $0.0e+00;
	(pc) =	sbr.rel @p0 .LBB2_15-.Ltmp8, $4  }
0x2b8: {  	v27 =	vld.idx.msk [tilespmem:v37+s17+$0x0], $0xffff;
	v31 =	vsub.f32 v35, v16;
	v8 =	vmul.f32 v9, v8;
	v9 =	vpop (erf);
	v12 =	vmin.f32 v62, $1.000000000e+00  }
0x2b9: {  	v29 =	vld.idx.msk [tilespmem:v36+s17+$0x0], $0xffff;
	v9 =	vmul.f32 v9, v56;
	v13 =	vmax.f32 v61, $0.0e+00;
	v7 =	vpop (erf);
	v26 =	vnsel vm5, $0x0, v12  }
0x2ba: {  	v19 =	vld.idx.msk [tilespmem:v48+s17+$0x0], $0xffff;
	v8 =	vmax.f32 v8, $0.0e+00;
	v35 =	vmul.f32 v7, v57;
	v34 =	vmin.f32 v13, $1.000000000e+00;
	v5 =	vpop (erf)  }
0x2bb: {  	v20 =	vld.idx.msk [tilespmem:v33+s17+$0x0], $0xffff;
	v33 =	vmin.f32 v8, $1.000000000e+00;
	v36 =	vmul.f32 v5, v1;
	v37 =	vmax.f32 v9, $0.0e+00  }
0x2bc: {  	v1 =	vmax.f32 v35, $0.0e+00  }
0x2bd: {  	v5 =	vmin.f32 v37, $1.000000000e+00;
	v7 =	vsub.f32 v23, v17;
	v9 =	vsub.f32 v25, v18  }
0x2be: {  	v59 =	vmul.f32 v30, v28;
	v60 =	vnsel vm3, $0x0, v34;
	v26 =	vmul.f32 v26, v31  }
0x2bf: {  	v22 =	vadd.f32 v24, v22;
	v1 =	vmin.f32 v1, $1.000000000e+00;
	v5 =	vnsel vm2, $0x0, v5  }
0x2c0: {  	v7 =	vmul.f32 v60, v7;
	v14 =	vadd.f32 v59, v14;
	v8 =	vsub.f32 v27, v19  }
0x2c1: {  	v1 =	vnsel vm1, $0x0, v1;
	v5 =	vmul.f32 v5, v9;
	[tilespmem:v15+s22+$0x0] =	vst.idx.msk $0xffff, v22;
	v61 =	vadd.f32 v26, v16  }
0x2c2: {  	v6 =	vmax.f32 v36, $0.0e+00;
	v7 =	vadd.f32 v7, v17;
	[tilespmem:v50+s22+$0x0] =	vst.idx.msk $0xffff, v14;
	v1 =	vmul.f32 v1, v8  }
0x2c3: {  	v6 =	vmin.f32 v6, $1.000000000e+00;
	v58 =	vsub.f32 v29, v20;
	v5 =	vadd.f32 v5, v18;
	[tilespmem:v51+s22+$0x0] =	vst.idx.msk $0xffff, v61  }
0x2c4: {  	v57 =	vsub.f32 v32, v21;
	v6 =	vnsel vm4, $0x0, v6;
	[tilespmem:v49+s22+$0x0] =	vst.idx.msk $0xffff, v7;
	v1 =	vadd.f32 v1, v19  }
0x2c5: {  	v62 =	vnsel vm0, $0x0, v33;
	v6 =	vmul.f32 v6, v58;
	[tilespmem:v10+s22+$0x0] =	vst.idx.msk $0xffff, v5  }
0x2c6: {  	v8 =	vmul.f32 v62, v57;
	[tilespmem:v11+s22+$0x0] =	vst.idx.msk $0xffff, v1  }
.Ltmp9:
0x2c7: {  	v6 =	vadd.f32 v6, v20;
	s0 =	rddreg [dreg:$0x10];
	(pc) =	sbr.rel @p1 .LBB2_18-.Ltmp9, $4  }
0x2c8: {  	v5 =	vadd.f32 v8, v21;
	s0 =	smul.u32 $0x18, s0  }
0x2c9: {  	s1 =	rddreg [dreg:$0x2];
	[tilespmem:v0+s22+$0x0] =	vst.idx.msk $0xffff, v6  }
0x2ca: {  	[tilespmem:v4+s22+$0x0] =	vst.idx.msk $0xffff, v5;
	s0 =	sadd.s32 s1, s0  }
0x2cb: {  	[hbm4b:s0+s5] =	stream.linear.scatter [tilespmem:s22], [sflag:$0x4], $0xC00, $0x38;
	[tilespmem:$0x4500] =	vst v63  }
0x2cc: {  	s0 =	rddreg [dreg:$0xa]  }
0x2cd: {  	s1 =	rddreg [dreg:$0xe]  }
0x2ce: {  	s0 =	sadd.s32 s1, s0  }
0x2cf: {  	s30 =	rddreg [dreg:$0x0];
	s0 =	sshll.u32 s0, $0x4  }
.Ltmp10:
0x2d0: {  	s31 =	rddreg [dreg:$0x1];
	s0 =	sand.u32 $0x1FFFFF00, s0;
	(pc) =	sbr.rel .LBB2_4-.Ltmp10, $4  }
0x2d1: {  	s2 =	rddreg [dreg:$0xd];
	s1 =	sadd.s32 s30, s0  }
0x2d2: {  	[tilespmem:s16], [sflag:$0x2] =	stream.linear.gather [hbm4b:s1+s5], $0x800, $0x38;
	[tilespmem:$0x4500] =	vst v63  }
0x2d3: {  	s2 =	sadd.s32 $0x1, s2;
	s0 =	sadd.s32 s31, s0  }
0x2d4: {  	[tilespmem:s17], [sflag:$0x2] =	stream.linear.gather [hbm4b:s0+s5], $0x800, $0x38;
	[tilespmem:$0x4500] =	vst v63  }
.LBB2_19:
0x2d5: {  	_ =	sfence.sel $0x180000  }
0x2d6: {  	[bflag:$0x0] =	sbarrier.arrive $0xFFFF  }
0x2d7: {  	_ =	strace $0x90000047  }
0x2d8: {  	s0 =	stileid.u32;
	[bflag:$0x2] =	sbarrier.arrive $0xFFFF  }
0x2d9: {  	p0 =	sne.s32 s0, $0x0;
	s0 =	rddreg [dreg:$0x3]  }
0x2da: {  	s0 =	sadd.s32 @!p0 $0x100000, s0  }
0x2db: {  	[sflag:s0] =	ssyncadd.tile.s32 @!p0 $0x1;
	_ =	shalt  }
.Lfunc_end2:
_tile_overlayer_lowered:
.L_overlay_start_2:
0x2dc: {  	(tag) =	ssettag $0x2  }
0x2dd: {  	s0 =	rddreg [dreg:$0x0];
	s2 =	stileid.u32  }
0x2de: {  	s1 =	rddreg [dreg:$0x1];
	p0 =	sne.s32 s2, $0x0  }
0x2df: {  	s3 =	rddreg [dreg:$0x2];
	[bflag:$0x3] =	sbarrier.arrive $0xFFFF;
	s2 =	simm.s32 @!p0 $0x1C05  }
0x2e0: {  	[timem:s3], [sflag:s2] =	dma.local @!p0 [hbm:s0], s1  }
0x2e1: {  	s0 =	simm.s32 @!p0 $0x5  }
0x2e2: {  	_ =	swait.ge @!p0 [sflag:s0], s1  }
0x2e3: {  	s1 =	ssub.s32 @!p0 $0x0, s1;
	[sflag:s0] =	ssyncset.done @!p0 $0x0  }
0x2e4: {  	[sflag:s0] =	ssyncadd.s32 @!p0 s1  }
0x2e5: {  	[bflag:$0x3] =	sbarrier.arrive $0xFFFF  }
0x2e6: {  	_ =	shalt  }

// kernel: sparse-core-data-format-call.cloned.1.call-start
scs
called_computation_lowered:
.L_overlay_start_0:
0x0: {  	s2 =	sld [smem:$0x3FD9]  }
0x1: {  	s3 =	sld [smem:$0x3FFE];
	_ =	sdelay $0x1  }
0x2: {  	s1 =	srdreg.scid  }
0x3: {  	s0 =	sand.u32 $0x1, s1  }
0x4: {  	s18 =	sshll.u32 s0, $0xA;
	s2 =	sadd.s32 s3, s2  }
0x5: {  	s2 =	sadd.s32 s2, s18  }
0x6: {  	[smem:$0x3FC6] =	sst s2  }
0x7: {  	_ = 	snop  }
0x8: {  	s2 =	sld [smem:$0x3FD0];
	(tm) =	ssettm $0x1  }
0x9: {  	s19 =	sld [smem:$0x3FFB];
	_ =	sdelay $0x3  }
0xa: {  	_ =	strace s19  }
0xb: {  	s3 =	sld [smem:$0x3FFC];
	_ =	sdelay $0x3  }
0xc: {  	_ =	strace s3  }
0xd: {  	s3 =	sld [smem:$0x3FFD];
	_ =	sdelay $0x3  }
0xe: {  	_ =	strace s3  }
0xf: {  	_ =	strace $0x8FFFFFFF  }
0x10: {  	s20 =	sld [smem:$0x3FDB];
	_ =	sdelay $0x1  }
0x11: {  	s4 =	simm.s32 $_scs_section_size  }
0x12: {  	s5 =	simm.s32 $_size__tile_overlayer_lowered;
	s6 =	simm.s32 $_tile_overlayer_lowered  }
0x13: {  	s23 =	simm.s32 $0x1BFF;
	s22 =	sshll.u32 s6, $0x1;
	s3 =	sadd.s32 s4, s20  }
0x14: {  	s7 =	simm.s32 $0x0;
	s21 =	sshll.u32 s5, $0x1;
	s5 =	sadd.s32 s22, s3  }
0x15: {  	[timem:s7], [sflag:s23] =	dma.local [hbm:s5], s21  }
0x16: {  	_ =	swait.ge [sflag:s23], s21  }
0x17: {  	s4 =	ssub.s32 $0x0, s21;
	[sflag:s23] =	ssyncset.done $0x0  }
0x18: {  	[sflag:s23] =	ssyncadd.s32 s4;
	_ =	sdelay $0x1  }
0x19: {  	s24 =	simm.s32 $0x1B8B  }
0x1a: {  	_ =	swait.ge [sflag:s24], $0x1  }
0x1b: {  	[sflag:s24] =	ssyncset.done $0x0  }
0x1c: {  	s26 =	simm.s32 $0x1B8E;
	s25 =	sld [smem:$0x3FFE];
	[sflag:s24] =	ssyncadd.s32 $0xFFFFFFFF  }
0x1d: {  	s27 =	simm.s32 $execute0_lowered;
	[smem:$0x3FD2] =	sst s26  }
0x1e: {  	s5 =	sshll.u32 s27, $0x1;
	_ =	strace $0x80000049;
	[dreg:$0x1] =	wrdreg $0xFFFFFFFF  }
0x1f: {  	s28 =	simm.s32 $_size_execute0_lowered;
	s3 =	sadd.s32 s3, s5;
	[dreg:$0x0] =	wrdreg $0x0  }
0x20: {  	s5 =	sshll.u32 s28, $0x1;
	[dreg:$0x2] =	wrdreg s3  }
0x21: {  	[dreg:$0x3] =	wrdreg s5  }
0x22: {  	[dreg:$0x4] =	wrdreg $0xC0  }
0x23: {  	_ =	task [dreg:s7], $0x5FFFF  }
0x24: {  	[dreg:$0x1] =	wrdreg $0xFFFFFFFF  }
0x25: {  	[dreg:$0x0] =	wrdreg $0x60  }
0x26: {  	[dreg:$0x2] =	wrdreg s25  }
0x27: {  	[dreg:$0x3] =	wrdreg s2  }
0x28: {  	[dreg:$0x4] =	wrdreg $0x9  }
0x29: {  	_ =	task.clear_ibuf [dreg:s7], $0x5FFFF;
	_ =	strace $0x90000049  }
0x2a: {  	s29 =	simm.s32 $0x9;
	_ =	strace $0x8000004B  }
0x2b: {  	_ =	swait.ge [sflag:s29], $0x1  }
0x2c: {  	[sflag:s29] =	ssyncadd.s32 $0xFFFFFFFF  }
0x2d: {  	_ =	strace $0x9000004B  }
0x2e: {  	_ =	sfence  }
0x2f: {  	s30 =	sld [smem:$0x0];
	_ =	sdelay $0x2  }
0x30: {  	s31 =	sshll.u32 s1, $0xD;
	s1 =	sshrl.u32 s1, $0x2  }
0x31: {  	s3 =	sand.u32 $0x4000, s31;
	s1 =	sadd.s32 s1, s30  }
0x32: {  	s0 =	sor.u32 s3, s0;
	s1 =	sshll.u32 s1, $0x11  }
0x33: {  	s0 =	sor.u32 s1, s0  }
0x34: {  	s0 =	sadd.s32 $0x8F2B, s0  }
0x35: {  	[sflag:s0] =	ssyncadd.remote.s32 $0x1  }
0x36: {  	_ =	sfence.sel $0xFFFF  }
0x37: {  	[dreg:$0x0] =	wrdreg $0xFFFFFFFF;
	(pc) =	sbr.abs _section_cstart, $3  }
0x38: {  	[dreg:$0x1] =	wrdreg $0xFFFFFFFF  }
0x39: {  	_ =	task.clear_ibuf [dreg:s7], $0x2FFFF;
	_ =	strace $0x9FFFFFFF  }
0x3a: {  	(tm) =	ssettm $0x7FFFFFFF  }
0x3b: {  	_ =	shalt  }
tec
execute0_lowered:
.L_overlay_start_1:
0x0: {  	(tag) =	ssettag $0x1  }
0x1: {  	s5 =	rddreg [dreg:$0x0]  }
0x2: {  	s0 =	srdreg.scid;
	s3 =	rddreg [dreg:$0x1];
	s7 =	simm.s32 $0x1  }
0x3: {  	s8 =	simm.s32 $0x2;
	s15 =	simm.s32 $0x0;
	s1 =	sshll.u32 s0, $0x4  }
0x4: {  	s14 =	simm.s32 $0x0;
	s0 =	stileid.u32;
	s1 =	sand.u32 $0x10, s1  }
0x5: {  	s9 =	simm.s32 $0x0;
	s10 =	simm.s32 $0x0;
	s1 =	sor.u32 s0, s1  }
0x6: {  	s11 =	simm.s32 $0x0;
	s13 =	simm.s32 $0x0;
	s2 =	sshll.u32 s1, $0x7  }
0x7: {  	s5 =	sadd.s32 $0x800, s5;
	s1 =	rddreg [dreg:$0x2];
	s6 =	ssub.s32 $0x10000, s2  }
.Ltmp0:
0x8: {  	_ =	strace $0x8000004A;
	s4 =	sand.u32 $0xF80, s6;
	(pc) =	sbr.rel .LBB1_1-.Ltmp0, $4  }
0x9: {  	s12 =	smov.u32 s2;
	p0 =	sne.s32 s4, $0x0;
	s4 =	simm.s32 $0x1  }
0xa: {  	s6 =	sshrl.u32 s6, $0xC;
	s7 =	simm.s32 @!p0 $0x0;
	[sflag:s4] =	ssyncpa.u1 $0x0  }
0xb: {  	p0 =	por $0x0, $0x0;
	s7 =	sadd.s32 s7, s6;
	[sflag:s8] =	ssyncpa.u1 $0x0  }
0xc: {  	s8 =	simm.s32 $0x80000;
	s6 =	sshll.u32 s7, $0x1;
	s7 =	sshllo.u32 s7, $0x1  }
.LBB1_4:
0xd: {  	s21 =	sshll.u32 s9, $0x10;
	s22 =	sshll.u32 s10, $0x3;
	s20 =	sshra.s32 s20, $0x2  }
0xe: {  	s28 =	sand.u32 $0x78, s10;
	s29 =	sshll.u32 s9, $0x7;
	p1 =	sgt.s32 s9, $0x40  }
0xf: {  	s25 =	sshra.s32 s9, $0x1F;
	s31 =	sshra.s32 s10, $0x1F;
	s21 =	sand.u32 $0xFFF80000, s21  }
0x10: {  	s23 =	sand.u32 $0xFFFFFC00, s22;
	s19 =	sadd.s32 s20, s19;
	s22 =	sand.u32 $0xFC00, s22  }
0x11: {  	v5 =	vld [tilespmem:s17+$0xFFFFFFD0];
	[tilespmem:s18+$0x2040 ss:$0x81] =	vst.msk $0xffff, v4;
	s25 =	sand.u32 s25, s9;
	s27 =	sadd.s32 s23, s21;
	s23 =	sand.u32 $0x380, s29  }
0x12: {  	v58 =	vld [tilespmem:s17+$0xFFFFFFE0];
	[tilespmem:s18+$0x2850 ss:$0x81] =	vst.msk $0xffff, v3;
	s21 =	sor.u32 s28, s22;
	s22 =	smov.u32 s9;
	s20 =	sshrl.u32 s27, $0x10  }
0x13: {  	v59 =	vld [tilespmem:s17+$0xFFFFFFF0];
	[tilespmem:s18+$0x3060 ss:$0x81] =	vst.msk $0xffff, v2;
	s22 =	simm.s32 @!p1 $0x40;
	p1 =	sgt.s32 s10, $0xFF80;
	s24 =	smul.u32 $0xAAAB, s20  }
0x14: {  	v60 =	vld [tilespmem:s17+$0x0];
	[tilespmem:s18+$0x0 ss:$0x81] =	vst.msk $0xffff, v1;
	s21 =	sor.u32 s23, s21;
	s30 =	ssub.s32 s22, s25;
	s22 =	smov.u32 s10  }
0x15: {  	v61 =	vld [tilespmem:s17+$0x10];
	[tilespmem:s19+$0x3870 ss:$0x81] =	vst.msk $0xffff, v0;
	s25 =	sand.u32 s31, s10;
	s22 =	simm.s32 @!p1 $0xFF80;
	s24 =	sshrl.u32 s24, $0x17  }
0x16: {  	v62 =	vld [tilespmem:s17+$0x20];
	[tilespmem:s19+$0x810 ss:$0x81] =	vst.msk $0xffff, v5;
	s26 =	sadd.s32 $0xFFFFFFC0, s30;
	s22 =	ssub.s32 s22, s25;
	s24 =	smul.u32 $0xC0, s24  }
0x17: {  	v63 =	vld [tilespmem:s17+$0xFFFFFFC0];
	[tilespmem:s19+$0x1020 ss:$0x81] =	vst.msk $0xffff, v58;
	s18 =	ssub.s32 $0xC0, s30;
	p1 =	sgt.s32 s26, $0x7F;
	s28 =	sadd.s32 $0xFFFF0080, s22  }
0x18: {  	[tilespmem:s19+$0x1830 ss:$0x81] =	vst.msk $0xffff, v59;
	p2 =	sgt.s32 s28, $0x7F;
	s27 =	ssub.s32 s20, s24;
	s20 =	ssub.s32 $0x10000, s22  }
0x19: {  	s29 =	sshrl.u32 s21, $0x3;
	[tilespmem:s19+$0x2040 ss:$0x81] =	vst.msk $0xffff, v60;
	s18 =	simm.s32 @p1 $0x0;
	s20 =	simm.s32 @p2 $0x0  }
0x1a: {  	[tilespmem:s19+$0x2850 ss:$0x81] =	vst.msk $0xffff, v61;
	s30 =	sand.u32 $0x7, s10;
	s17 =	sand.u32 $0xFFFF, s27;
	s18 =	smul.u32 s20, s18  }
0x1b: {  	[tilespmem:s19+$0x3060 ss:$0x81] =	vst.msk $0xffff, v62;
	s21 =	sshll.u32 s30, $0x12;
	s17 =	sshll.u32 s17, $0xD;
	s20 =	sadd.s32 s3, s29  }
0x1c: {  	[tilespmem:s19+$0x0 ss:$0x81] =	vst.msk $0xffff, v63;
	s31 =	sor.u32 $0x400, s21;
	s17 =	sadd.s32 s17, s20;
	s18 =	sand.u32 $0x3FFFFFFF, s18  }
0x1d: {  	[hbm4b:s17+s31] =	stream.strided.scatter [tilespmem:s16], [sflag:$0x2], s18, s8, s31, $0x20;
	[tilespmem:$0x10100] =	vst v63  }
.LBB1_5:
0x1e: {  	p1 =	slt.u32 s13, $0x2  }
0x1f: {  	s17 =	smov.u32 s15;
	p2 =	sgt.s32 @!p1 s15, $0x40;
	s16 =	sshra.s32 @!p1 s15, $0x1F  }
0x20: {  	p3 =	sgt.s32 @!p1 s14, $0xFF80;
	s18 =	sshra.s32 @!p1 s14, $0x1F;
	p2 =	por !p2, p1  }
0x21: {  	s15 =	sand.u32 @!p1 s16, s15;
	p3 =	por !p3, p1;
	s16 =	smov.u32 s14  }
0x22: {  	s14 =	sand.u32 @!p1 s18, s14;
	s17 =	simm.s32 @p2 $0x40;
	s16 =	simm.s32 @p3 $0xFF80  }
0x23: {  	s15 =	ssub.s32 @!p1 s17, s15;
	s14 =	ssub.s32 @!p1 s16, s14  }
0x24: {  	s18 =	smov.u32 s12;
	s16 =	sadd.s32 @!p1 $0xFFFFFFC0, s15;
	s17 =	sadd.s32 @!p1 $0xFFFF0080, s14  }
0x25: {  	s15 =	ssub.s32 @!p1 $0xC0, s15;
	p2 =	sgt.s32 @!p1 s16, $0x7F;
	p3 =	sgt.s32 @!p1 s17, $0x7F  }
0x26: {  	s14 =	ssub.s32 @!p1 $0x10000, s14;
	p2 =	por !p2, p1;
	p3 =	por !p3, p1  }
0x27: {  	s16 =	sadd.s32 $0x80, s11;
	s15 =	simm.s32 @!p2 $0x0;
	s14 =	simm.s32 @!p3 $0x0  }
0x28: {  	p2 =	sgt.s32 s16, $0xBF;
	s14 =	smul.u32 @!p1 s14, s15;
	s15 =	sadd.s32 $0x1000, s12  }
0x29: {  	s18 =	smov.u32 @p2 s15  }
0x2a: {  	s16 =	simm.s32 @p2 $0x0;
	p2 =	sgt.s32 s18, $0xFFFF  }
0x2b: {  	s18 =	smov.u32 @p2 s2;
	p2 =	sne.s32 s13, s7  }
.Ltmp1:
0x2c: {  	p0 =	por !p0, !p0;
	s17 =	simm.s32 @!p1 $0x2;
	(pc) =	sbr.rel @!p2 .LBB1_6-.Ltmp1, $4  }
0x2d: {  	s15 =	smov.u32 s9;
	s9 =	smov.u32 s11;
	s14 =	sand.u32 @!p1 $0x3FFFFFFF, s14  }
0x2e: {  	s11 =	smov.u32 s16;
	_ =	swait.ge @!p1 [sflag:s17], s14;
	s19 =	ssub.s32 @!p1 $0x0, s14  }
0x2f: {  	s14 =	smov.u32 s10;
	s13 =	sadd.s32 $0x1, s13;
	[sflag:s17] =	ssyncset.done @!p1 $0x0  }
0x30: {  	s10 =	smov.u32 s12;
	s12 =	smov.u32 s18;
	[sflag:s17] =	ssyncadd.s32 @!p1 s19  }
.LBB1_1:
0x31: {  	p1 =	sge.u32 s13, s6  }
0x32: {  	s31 =	sadd.s32 $0xFFFFFFFF, s13;
	s16 =	sshll.u32 @!p1 s12, $0x8  }
0x33: {  	s17 =	sshll.u32 @!p1 s11, $0x3;
	s18 =	sshll.u32 @!p1 s12, $0x7;
	s16 =	sand.u32 @!p1 $0xFFF800, s16  }
0x34: {  	s19 =	sand.u32 @!p1 $0x78, s11;
	s16 =	sadd.s32 @!p1 s16, s17;
	s17 =	sand.u32 @!p1 $0x380, s18  }
0x35: {  	s18 =	sxor.u32 @!p1 $0xFFFFFFFF, s13;
	s16 =	sand.u32 @!p1 $0xFFFC00, s16;
	s17 =	sor.u32 @!p1 s17, s19  }
0x36: {  	s18 =	sshll.u32 @!p1 s18, $0xE;
	s16 =	sor.u32 @!p1 s16, s17;
	s17 =	sand.u32 @!p1 $0x7, s11  }
0x37: {  	s19 =	simm.s32 @!p1 $0x800;
	s16 =	sshrl.u32 @!p1 s16, $0x3;
	s17 =	sshll.u32 @!p1 s17, $0x12  }
0x38: {  	s18 =	sand.u32 @!p1 $0x4000, s18;
	s16 =	sadd.s32 @!p1 s5, s16;
	s17 =	sor.u32 @!p1 $0x400, s17  }
0x39: {  	[tilespmem:s18], [sflag:$0x1] =	stream.strided.gather @!p1 [hbm4b:s16+s17], $0x4000, s19, s17, $0x38;
	[tilespmem:$0x10100] =	vst v63  }
0x3a: {  	p1 =	sge.u32 s31, s6  }
.Ltmp2:
0x3b: {  	_ = 	snop;
	(pc) =	sbr.rel @p1 .LBB1_5-.Ltmp2, $1  }
0x3c: {  	_ =	sdelay $0x3  }
0x3d: {  	s16 =	simm.s32 $0x1  }
0x3e: {  	_ =	swait.ge [sflag:s4], $0x4000;
	s16 =	simm.s32 @!p0 $0x0  }
0x3f: {  	[sflag:s4] =	ssyncset.done $0x0;
	s17 =	sshll.u32 s16, $0xE  }
0x40: {  	[sflag:s4] =	ssyncadd.s32 $0xFFFFC000;
	s17 =	sor.u32 $0x40, s17  }
0x41: {  	s16 =	smul.u32 $0x10200, s16;
	v0 =	vld [tilespmem:s17+$0x30]  }
0x42: {  	v1 =	vld [tilespmem:s17+$0xFFFFFFD0]  }
0x43: {  	s16 =	sshrl.u32 s16, $0x2;
	v5 =	vld [tilespmem:s17+$0xFFFFFFE0]  }
0x44: {  	v6 =	vld [tilespmem:s17+$0xFFFFFFF0];
	s19 =	sor.u32 $0x8000, s16  }
0x45: {  	s31 =	sand.u32 $0x1, s13;
	v4 =	vld [tilespmem:s17+$0x0];
	s18 =	sadd.s32 $0x0, s19  }
0x46: {  	v3 =	vld [tilespmem:s17+$0x10];
	s16 =	smul.u32 $0x10200, s31;
	[tilespmem:s18+$0x3870 ss:$0x81] =	vst.msk $0xffff, v0  }
0x47: {  	v2 =	vld [tilespmem:s17+$0x20];
	[tilespmem:s18+$0x810 ss:$0x81] =	vst.msk $0xffff, v1  }
0x48: {  	s16 =	sshrl.u32 s16, $0x2;
	v1 =	vld [tilespmem:s17+$0xFFFFFFC0];
	[tilespmem:s18+$0x1020 ss:$0x81] =	vst.msk $0xffff, v5;
	s17 =	sadd.s32 $0x80, s17  }
0x49: {  	s20 =	simm.s32 $0x4;
	s21 =	simm.s32 $0x8;
	s16 =	sor.u32 $0x8000, s16;
	[tilespmem:s18+$0x1830 ss:$0x81] =	vst.msk $0xffff, v6;
	v0 =	vld [tilespmem:s17+$0x30]  }
.LBB1_3:
0x4a: {  	p1 =	sne.s32 s21, $0x1FC;
	v5 =	vld [tilespmem:s17+$0xFFFFFFD0];
	[tilespmem:s18+$0x2040 ss:$0x81] =	vst.msk $0xffff, v4  }
0x4b: {  	v6 =	vld [tilespmem:s17+$0xFFFFFFE0];
	[tilespmem:s18+$0x2850 ss:$0x81] =	vst.msk $0xffff, v3  }
0x4c: {  	s22 =	sshra.s32 s20, $0x2;
	s20 =	smov.u32 s21;
	v7 =	vld [tilespmem:s17+$0xFFFFFFF0];
	[tilespmem:s18+$0x3060 ss:$0x81] =	vst.msk $0xffff, v2  }
.Ltmp3:
0x4d: {  	v4 =	vld [tilespmem:s17+$0x0];
	[tilespmem:s18+$0x0 ss:$0x81] =	vst.msk $0xffff, v1;
	s18 =	sadd.s32 s22, s19;
	(pc) =	sbr.rel @p1 .LBB1_3-.Ltmp3, $4  }
0x4e: {  	v3 =	vld [tilespmem:s17+$0x10];
	[tilespmem:s18+$0x3870 ss:$0x81] =	vst.msk $0xffff, v0  }
0x4f: {  	[tilespmem:s18+$0x810 ss:$0x81] =	vst.msk $0xffff, v5;
	v2 =	vld [tilespmem:s17+$0x20]  }
0x50: {  	v1 =	vld [tilespmem:s17+$0xFFFFFFC0];
	[tilespmem:s18+$0x1020 ss:$0x81] =	vst.msk $0xffff, v6;
	s17 =	sadd.s32 $0x80, s17  }
0x51: {  	s21 =	sadd.s32 $0x4, s21;
	v0 =	vld [tilespmem:s17+$0x30];
	[tilespmem:s18+$0x1830 ss:$0x81] =	vst.msk $0xffff, v7  }
.Ltmp4:
0x52: {  	_ = 	snop;
	(pc) =	sbr.rel .LBB1_4-.Ltmp4, $1  }
0x53: {  	_ =	sdelay $0x3  }
.LBB1_6:
0x54: {  	_ =	sfence.sel $0x180000  }
0x55: {  	s2 =	simm.s32 $0x1;
	[bflag:$0x0] =	sbarrier.arrive $0xFFFF  }
0x56: {  	s31 =	simm.s32 $0x2;
	[sflag:s2] =	ssyncpa.u1 $0x1  }
0x57: {  	[sflag:s31] =	ssyncpa.u1 $0x1  }
0x58: {  	p0 =	sne.s32 s0, $0x0;
	_ =	strace $0x9000004A  }
0x59: {  	s0 =	sadd.s32 @!p0 $0x100000, s1;
	[bflag:$0x2] =	sbarrier.arrive $0xFFFF  }
0x5a: {  	[sflag:s0] =	ssyncadd.tile.s32 @!p0 $0x1;
	_ =	shalt  }
.Lfunc_end1:
_tile_overlayer_lowered:
.L_overlay_start_2:
0x5b: {  	(tag) =	ssettag $0x2  }
0x5c: {  	s0 =	rddreg [dreg:$0x0];
	s2 =	stileid.u32  }
0x5d: {  	s1 =	rddreg [dreg:$0x1];
	p0 =	sne.s32 s2, $0x0  }
0x5e: {  	s3 =	rddreg [dreg:$0x2];
	[bflag:$0x3] =	sbarrier.arrive $0xFFFF;
	s2 =	simm.s32 @!p0 $0x1C01  }
0x5f: {  	[timem:s3], [sflag:s2] =	dma.local @!p0 [hbm:s0], s1  }
0x60: {  	s0 =	simm.s32 @!p0 $0x1  }
0x61: {  	_ =	swait.ge @!p0 [sflag:s0], s1  }
0x62: {  	s1 =	ssub.s32 @!p0 $0x0, s1;
	[sflag:s0] =	ssyncset.done @!p0 $0x0  }
0x63: {  	[sflag:s0] =	ssyncadd.s32 @!p0 s1  }
0x64: {  	[bflag:$0x3] =	sbarrier.arrive $0xFFFF  }
0x65: {  	_ =	shalt  }

</sc_bundles>
